<compile_context>
chip_gen: v7x
topology: tpu7x:2x2x1
jax: 0.10.2.dev20260603
libtpu: 0.0.44.dev20260713+nightly
codegen_flags: <defaults>
</compile_context>

<pallas_src>
import functools

import jax
import jax.numpy as jnp
from jax import lax
from jax.experimental import pallas as pl
from jax.experimental.pallas import tpu as pltpu
from jax.experimental.pallas import tpu_sc as plsc

_NU = 2000
_N = 10000
_DIM = 128
_NREL = 16
_E = 320000

_NC, _NS = 2, 16
_NW = _NC * _NS
_EPW = _E // _NW
_C = 80
_NCHUNK = _EPW // _C
_NPAD = 10240
_STRIPE = _NPAD // _NS


def _pre_body(ne_ref, w_ref, wr_ref, a_ref, rel_ref, xt_ref, sc_ref, rs_ref):
    xt = jnp.dot(ne_ref[...], w_ref[...], preferred_element_type=jnp.float32)
    xt_ref[...] = xt
    a = a_ref[...]
    a13 = jnp.concatenate([a[0:128], a[256:384]], axis=1)
    sc_ref[...] = jnp.dot(xt, a13, preferred_element_type=jnp.float32)
    rxt = jnp.dot(rel_ref[...], wr_ref[...], preferred_element_type=jnp.float32)
    rs_ref[...] = jnp.dot(rxt, a[128:256], preferred_element_type=jnp.float32)


_pre = pl.pallas_call(
    _pre_body,
    out_shape=[
        jax.ShapeDtypeStruct((_N, _DIM), jnp.float32),
        jax.ShapeDtypeStruct((_N, 2), jnp.float32),
        jax.ShapeDtypeStruct((_NREL, 1), jnp.float32),
    ],
)


def _sc_body(xt_hbm, s1_hbm, s3_hbm, rs_hbm, src_hbm, dst_hbm, et_hbm,
             msg_out, att_out,
             s1v, s3v, relv, src_c, dst_c, et_c, attb, rows_v,
             z2d, z1d, msg_sh, att_sh, gsem):
    cid = lax.axis_index("c")
    sid = lax.axis_index("s")
    wid = cid * _NS + sid

    zv = jnp.zeros((16,), jnp.float32)

    def _z2(i, carry):
        z2d[i // 8, pl.ds((i % 8) * 16, 16)] = zv
        return carry

    lax.fori_loop(0, 160 * 8, _z2, 0)

    def _z1(i, carry):
        z1d[pl.ds(i * 16, 16)] = zv
        return carry

    lax.fori_loop(0, _STRIPE // 16, _z1, 0)

    def _zc(i, carry):
        pltpu.sync_copy(z2d, msg_sh.at[pl.ds(sid * _STRIPE + i * 160, 160)])
        return carry

    lax.fori_loop(0, _STRIPE // 160, _zc, 0)
    pltpu.sync_copy(z1d, att_sh.at[pl.ds(sid * _STRIPE, _STRIPE)])
    plsc.subcore_barrier()

    def _chunk(c, carry):
        base = wid * _EPW + c * _C
        pltpu.sync_copy(src_hbm.at[pl.ds(base, _C)], src_c)
        pltpu.sync_copy(dst_hbm.at[pl.ds(base, _C)], dst_c)
        pltpu.sync_copy(et_hbm.at[pl.ds(base, _C)], et_c)

        g1 = pltpu.async_copy(s1_hbm.at[src_c], s1v, gsem)
        g2 = pltpu.async_copy(s3_hbm.at[dst_c], s3v, gsem)
        g3 = pltpu.async_copy(rs_hbm.at[et_c], relv, gsem)
        g4 = pltpu.async_copy(xt_hbm.at[src_c], rows_v, gsem)
        g1.wait()
        g2.wait()
        g3.wait()

        def _att(j, carry2):
            sl = pl.ds(j * 16, 16)
            v = s1v[sl] + s3v[sl] + relv[sl]
            v = jnp.where(v >= 0.0, v, 0.2 * v)
            attb[sl] = jnp.exp(v)
            return carry2

        lax.fori_loop(0, _C // 16, _att, 0)

        g4.wait()

        def _scale(j, carry2):
            a16 = attb[pl.ds(j * 16, 16)]
            for l in range(16):
                av = jnp.full((16,), a16[l], jnp.float32)
                k = j * 16 + l

                def _mul(q, carry3, k=k, av=av):
                    rows_v[k, pl.ds(q * 16, 16)] = rows_v[k, pl.ds(q * 16, 16)] * av
                    return carry3

                lax.fori_loop(0, _DIM // 16, _mul, 0)
            return carry2

        lax.fori_loop(0, _C // 16, _scale, 0)

        pltpu.sync_copy(rows_v, msg_sh.at[dst_c], add=True)
        pltpu.sync_copy(attb, att_sh.at[dst_c], add=True)
        return carry

    lax.fori_loop(0, _NCHUNK, _chunk, 0)

    plsc.subcore_barrier()
    pltpu.sync_copy(msg_sh.at[pl.ds(sid * _STRIPE, _STRIPE)],
                    msg_out.at[cid, pl.ds(sid * _STRIPE, _STRIPE)])
    pltpu.sync_copy(att_sh.at[pl.ds(sid * _STRIPE, _STRIPE)],
                    att_out.at[pl.ds(cid * _NPAD + sid * _STRIPE, _STRIPE)])


_sc = functools.partial(
    pl.kernel,
    out_type=[
        jax.ShapeDtypeStruct((_NC, _NPAD, _DIM), jnp.float32),
        jax.ShapeDtypeStruct((_NC * _NPAD,), jnp.float32),
    ],
    mesh=plsc.VectorSubcoreMesh(core_axis_name="c", subcore_axis_name="s"),
    scratch_types=[
        pltpu.VMEM((_C,), jnp.float32),
        pltpu.VMEM((_C,), jnp.float32),
        pltpu.VMEM((_C,), jnp.float32),
        pltpu.VMEM((_C,), jnp.int32),
        pltpu.VMEM((_C,), jnp.int32),
        pltpu.VMEM((_C,), jnp.int32),
        pltpu.VMEM((_C,), jnp.float32),
        pltpu.VMEM((_C, _DIM), jnp.float32),
        pltpu.VMEM((160, _DIM), jnp.float32),
        pltpu.VMEM((_STRIPE,), jnp.float32),
        pltpu.VMEM_SHARED((_NPAD, _DIM), jnp.float32),
        pltpu.VMEM_SHARED((_NPAD,), jnp.float32),
        pltpu.SemaphoreType.DMA,
    ],
)(_sc_body)


def _post_body(msg_ref, att_ref, ne_ref, out_ref):
    msg = msg_ref[0, :_N, :] + msg_ref[1, :_N, :]
    att = att_ref[:_NPAD] + att_ref[_NPAD:]
    out = msg / (att[:_N][:, None] + 1e-10)
    x1 = jnp.where(out > 0.0, out, jnp.exp(out) - 1.0)
    nrm = jnp.sqrt(jnp.sum(x1 * x1, axis=-1, keepdims=True))
    x1 = x1 / jnp.maximum(nrm, 1e-12)
    out_ref[...] = (ne_ref[...] + x1) * 0.5


_post = pl.pallas_call(
    _post_body,
    out_shape=jax.ShapeDtypeStruct((_N, _DIM), jnp.float32),
)


def kernel(node_emb, W, W_r, a, rel_emb, edge_index, edge_type):
    xt, scores, rel_s = _pre(node_emb, W, W_r, a, rel_emb)
    msg, att = _sc(xt, scores[:, 0], scores[:, 1], rel_s.reshape(-1),
                   edge_index[0], edge_index[1], edge_type)
    final = _post(msg, att, node_emb)
    return (final[:_NU], final[_NU:])

# --- scband reference (transcript-rebuilt; emitter-appended) ---
"""Pipeline reference for scband-kgat-52441550684532 (READ-ONLY COPY).

The authoritative reference and input builder live on the scoring server;
editing this copy changes nothing except your own understanding.
"""

import jax, jax.numpy as jnp
import numpy as np

N_USERS = 2000
N_ENTITIES = 8000
N = N_USERS + N_ENTITIES
N_REL = 16
DIM = 128
E = 320000


def setup_inputs(seed: int = 0) -> dict:
    key = jax.random.key(seed)
    k = jax.random.split(key, 7)
    node_emb = jax.random.normal(k[0], (N, DIM), dtype=jnp.float32) * 0.05
    W = jax.random.normal(k[1], (DIM, DIM), dtype=jnp.float32) * 0.05
    W_r = jax.random.normal(k[2], (DIM, DIM), dtype=jnp.float32) * 0.05
    a = jax.random.normal(k[3], (3 * DIM, 1), dtype=jnp.float32) * 0.05
    rel_emb = jax.random.normal(k[4], (N_REL, DIM), dtype=jnp.float32) * 0.05
    edge_index = jax.random.randint(k[5], (2, E), 0, N, dtype=jnp.int32)
    edge_type = jax.random.randint(k[6], (E,), 0, N_REL, dtype=jnp.int32)
    return {
        'node_emb': node_emb,
        'W': W,
        'W_r': W_r,
        'a': a,
        'rel_emb': rel_emb,
        'edge_index': edge_index,
        'edge_type': edge_type,
    }


def _leaky_relu(x, slope=0.2):
    return jnp.where(x >= 0, x, slope * x)


def reference(node_emb, W, W_r, a, rel_emb, edge_index, edge_type):
    src = edge_index[0]
    dst = edge_index[1]
    # KGATLayer forward (dropout=0 -> identity)
    xt = node_emb @ W                      # [N, DIM]
    r = rel_emb[edge_type] @ W_r           # [E, DIM] gather + matmul
    feats = jnp.concatenate([xt[src], r, xt[dst]], axis=-1)  # [E, 3*DIM]
    att = _leaky_relu(feats @ a).squeeze(-1)                 # [E]
    att = att - jnp.max(att)
    att_exp = jnp.exp(att)
    att_sum = jax.ops.segment_sum(att_exp, dst, num_segments=N)  # scatter-add
    att_norm = att_exp / (att_sum[dst] + 1e-10)
    msg = att_norm[:, None] * xt[src]                        # [E, DIM]
    out = jax.ops.segment_sum(msg, dst, num_segments=N)      # scatter-add [N, DIM]
    # KGAT forward: normalize(elu(layer_out)), mean over [x0, x1]
    x1 = jax.nn.elu(out)
    norm = jnp.maximum(jnp.linalg.norm(x1, axis=-1, keepdims=True), 1e-12)
    x1 = x1 / norm
    final = (node_emb + x1) / 2.0
    return (final[:N_USERS], final[N_USERS:])

if __name__ == "__main__":
    import jax
    _d = setup_inputs()
    print(jax.jit(kernel)(*tuple(_d.values())))

</pallas_src>

<mosaic_0001>
#map = affine_map<(d0, d1) -> (0, 0)>
#map1 = affine_map<(d0, d1) -> (0)>
#map2 = affine_map<(d0, d1) -> (0, 0, 0)>
module attributes {stable_mosaic.version = 14 : i64} {
  func.func @_sc_body(%arg0: i32, %arg1: i32, %arg2: memref<10000x128xf32, #tpu.memory_space<hbm>>, %arg3: memref<10000xf32, #tpu.memory_space<hbm>>, %arg4: memref<10000xf32, #tpu.memory_space<hbm>>, %arg5: memref<16xf32, #tpu.memory_space<hbm>>, %arg6: memref<320000xi32, #tpu.memory_space<hbm>>, %arg7: memref<320000xi32, #tpu.memory_space<hbm>>, %arg8: memref<320000xi32, #tpu.memory_space<hbm>>, %arg9: memref<2x10240x128xf32, #tpu.memory_space<hbm>>, %arg10: memref<20480xf32, #tpu.memory_space<hbm>>, %arg11: memref<80xf32, #tpu.memory_space<vmem>>, %arg12: memref<80xf32, #tpu.memory_space<vmem>>, %arg13: memref<80xf32, #tpu.memory_space<vmem>>, %arg14: memref<80xi32, #tpu.memory_space<vmem>>, %arg15: memref<80xi32, #tpu.memory_space<vmem>>, %arg16: memref<80xi32, #tpu.memory_space<vmem>>, %arg17: memref<80xf32, #tpu.memory_space<vmem>>, %arg18: memref<80x128xf32, #tpu.memory_space<vmem>>, %arg19: memref<160x128xf32, #tpu.memory_space<vmem>>, %arg20: memref<640xf32, #tpu.memory_space<vmem>>, %arg21: memref<10240x128xf32, #tpu.memory_space<vmem_shared>>, %arg22: memref<10240xf32, #tpu.memory_space<vmem_shared>>, %arg23: memref<!tpu.dma_semaphore, #tpu.memory_space<semaphore_mem>>) attributes {dimension_semantics = [#tpu.dimension_semantics<core_parallel>, #tpu.dimension_semantics<subcore_parallel>], iteration_bounds = array<i64: 2, 16>, scalar_prefetch = 0 : i64, scratch_operands = 13 : i64, tpu.core_type = #tpu.core_type<sc_vector_subcore>, window_params = [{transform_indices = #map}, {transform_indices = #map1}, {transform_indices = #map1}, {transform_indices = #map1}, {transform_indices = #map1}, {transform_indices = #map1}, {transform_indices = #map1}, {transform_indices = #map2}, {transform_indices = #map1}]} {
    %mul3A = arith.constant 16 : i32
    %mul3A_0 = arith.muli %arg0, %mul3A : i32
    %add3A = arith.addi %mul3A_0, %arg1 : i32
    %broadcast_in_dim3A = arith.constant 0.000000e+00 : f32
    %broadcast_in_dim3A_1 = vector.broadcast %broadcast_in_dim3A : f32 to vector<16xf32>
    %scan3A = arith.constant 0 : i32
    %scan3A_2 = arith.constant 0 : i32
    %scan3A_3 = arith.constant 1280 : i32
    %scan3A_4 = arith.addi %scan3A_2, %scan3A_3 : i32
    %scan3A_5 = arith.constant 1 : i32
    scf.for %scan3A_39 = %scan3A_2 to %scan3A_4 step %scan3A_5  : i32 {
      %jit3A = arith.constant 8 : i32
      %div3A = arith.divsi %scan3A_39, %jit3A : i32
      %sign3A = arith.constant 0 : i32
      %sign3A_40 = arith.cmpi sgt, %scan3A_39, %sign3A : i32
      %sign3A_41 = arith.extui %sign3A_40 : i1 to i32
      %sign3A_42 = arith.constant 0 : i32
      %sign3A_43 = arith.cmpi slt, %scan3A_39, %sign3A_42 : i32
      %sign3A_44 = arith.extui %sign3A_43 : i1 to i32
      %sign3A_45 = arith.subi %sign3A_41, %sign3A_44 : i32
      %sign3A_46 = arith.constant 0 : i32
      %sign3A_47 = arith.cmpi sgt, %jit3A, %sign3A_46 : i32
      %sign3A_48 = arith.extui %sign3A_47 : i1 to i32
      %sign3A_49 = arith.constant 0 : i32
      %sign3A_50 = arith.cmpi slt, %jit3A, %sign3A_49 : i32
      %sign3A_51 = arith.extui %sign3A_50 : i1 to i32
      %sign3A_52 = arith.subi %sign3A_48, %sign3A_51 : i32
      %ne3A = arith.cmpi ne, %sign3A_45, %sign3A_52 : i32
      %rem3A = arith.remsi %scan3A_39, %jit3A : i32
      %ne3A_53 = arith.constant 0 : i32
      %ne3A_54 = arith.cmpi ne, %rem3A, %ne3A_53 : i32
      %and3A = arith.andi %ne3A, %ne3A_54 : i1
      %sub3A = arith.constant 1 : i32
      %sub3A_55 = arith.subi %div3A, %sub3A : i32
      %select_n3A = arith.select %and3A, %sub3A_55, %div3A : i32
      %jit3A_56 = arith.constant 8 : i32
      %eq3A = arith.constant 0 : i32
      %eq3A_57 = arith.cmpi eq, %jit3A_56, %eq3A : i32
      %jit3A_58 = arith.constant 1 : i32
      %select_n3A_59 = arith.select %eq3A_57, %jit3A_58, %jit3A_56 : i32
      %rem3A_60 = arith.remsi %scan3A_39, %select_n3A_59 : i32
      %ne3A_61 = arith.constant 0 : i32
      %ne3A_62 = arith.cmpi ne, %rem3A_60, %ne3A_61 : i32
      %lt3A = arith.constant 0 : i32
      %lt3A_63 = arith.cmpi slt, %rem3A_60, %lt3A : i32
      %lt3A_64 = arith.constant 0 : i32
      %lt3A_65 = arith.cmpi slt, %select_n3A_59, %lt3A_64 : i32
      %ne3A_66 = arith.xori %lt3A_63, %lt3A_65 : i1
      %and3A_67 = arith.andi %ne3A_66, %ne3A_62 : i1
      %add3A_68 = arith.addi %rem3A_60, %select_n3A_59 : i32
      %select_n3A_69 = arith.select %and3A_67, %add3A_68, %rem3A_60 : i32
      %mul3A_70 = arith.constant 16 : i32
      %mul3A_71 = arith.muli %select_n3A_69, %mul3A_70 : i32
      %swap3A = arith.index_cast %select_n3A : i32 to index
      %swap3A_72 = arith.index_cast %mul3A_71 : i32 to index
      %swap3A_73 = tpu.vector_load %arg19[%swap3A, %swap3A_72] {strides = array<i32>} : memref<160x128xf32, #tpu.memory_space<vmem>>, vector<1x16xf32>,
      %swap3A_74 = vector.shape_cast %swap3A_73 : vector<1x16xf32> to vector<16xf32>
      %swap3A_75 = vector.shape_cast %broadcast_in_dim3A_1 : vector<16xf32> to vector<1x16xf32>
      tpu.vector_store %arg19[%swap3A, %swap3A_72], %swap3A_75 {strides = array<i32>} : memref<160x128xf32, #tpu.memory_space<vmem>>, vector<1x16xf32>,
    }
    %scan3A_6 = arith.constant 1280 : i32
    %scan3A_7 = arith.constant 0 : i32
    %scan3A_8 = arith.constant 0 : i32
    %scan3A_9 = arith.constant 40 : i32
    %scan3A_10 = arith.addi %scan3A_8, %scan3A_9 : i32
    %scan3A_11 = arith.constant 1 : i32
    scf.for %scan3A_39 = %scan3A_8 to %scan3A_10 step %scan3A_11  : i32 {
      %mul3A_40 = arith.constant 16 : i32
      %mul3A_41 = arith.muli %scan3A_39, %mul3A_40 : i32
      %swap3A = arith.index_cast %mul3A_41 : i32 to index
      %swap3A_42 = tpu.vector_load %arg20[%swap3A] {strides = array<i32>} : memref<640xf32, #tpu.memory_space<vmem>>, vector<16xf32>,
      %swap3A_43 = vector.shape_cast %swap3A_42 : vector<16xf32> to vector<16xf32>
      %swap3A_44 = vector.shape_cast %broadcast_in_dim3A_1 : vector<16xf32> to vector<16xf32>
      tpu.vector_store %arg20[%swap3A], %swap3A_44 {strides = array<i32>} : memref<640xf32, #tpu.memory_space<vmem>>, vector<16xf32>,
    }
    %scan3A_12 = arith.constant 40 : i32
    %scan3A_13 = arith.constant 0 : i32
    %scan3A_14 = arith.constant 0 : i32
    %scan3A_15 = arith.constant 4 : i32
    %scan3A_16 = arith.addi %scan3A_14, %scan3A_15 : i32
    %scan3A_17 = arith.constant 1 : i32
    scf.for %scan3A_39 = %scan3A_14 to %scan3A_16 step %scan3A_17  : i32 {
      %mul3A_40 = arith.constant 640 : i32
      %mul3A_41 = arith.muli %arg1, %mul3A_40 : i32
      %mul3A_42 = arith.constant 160 : i32
      %mul3A_43 = arith.muli %scan3A_39, %mul3A_42 : i32
      %add3A_44 = arith.addi %mul3A_41, %mul3A_43 : i32
      "tpu.region"() ({
        %run_scoped3A = tpu.sem_alloc : memref<!tpu.dma_semaphore, #tpu.memory_space<semaphore_mem>>
        %dma_start3A = arith.constant 0 : i32
        %dma_start3A_45 = tpu.memref_slice %arg21[%add3A_44, %dma_start3A] : memref<10240x128xf32, #tpu.memory_space<vmem_shared>> -> memref<160x128xf32, #tpu.memory_space<vmem_shared>>
        %dma_start3A_46 = arith.constant 0 : i32
        %dma_start3A_47 = tpu.memref_slice %arg21[%add3A_44, %dma_start3A_46] : memref<10240x128xf32, #tpu.memory_space<vmem_shared>> -> memref<160x128xf32, #tpu.memory_space<vmem_shared>>
        tpu.enqueue_dma source(%arg19 : memref<160x128xf32, #tpu.memory_space<vmem>>) target(%dma_start3A_47 : memref<160x128xf32, #tpu.memory_space<vmem_shared>>) target_semaphore(%run_scoped3A : memref<!tpu.dma_semaphore, #tpu.memory_space<semaphore_mem>>)
        %dma_wait3A = arith.constant 0 : i32
        %dma_wait3A_48 = tpu.memref_slice %arg21[%add3A_44, %dma_wait3A] : memref<10240x128xf32, #tpu.memory_space<vmem_shared>> -> memref<160x128xf32, #tpu.memory_space<vmem_shared>>
        %dma_wait3A_49 = arith.constant 0 : i32
        %dma_wait3A_50 = tpu.memref_slice %arg21[%add3A_44, %dma_wait3A_49] : memref<10240x128xf32, #tpu.memory_space<vmem_shared>> -> memref<160x128xf32, #tpu.memory_space<vmem_shared>>
        tpu.wait_dma2 semaphore(%run_scoped3A : memref<!tpu.dma_semaphore, #tpu.memory_space<semaphore_mem>>) src(%arg19 : memref<160x128xf32, #tpu.memory_space<vmem>>) dst(%dma_wait3A_50 : memref<160x128xf32, #tpu.memory_space<vmem_shared>>)
        tpu.yield
      }) : () -> ()
    }
    %scan3A_18 = arith.constant 4 : i32
    %mul3A_19 = arith.constant 640 : i32
    %mul3A_20 = arith.muli %arg1, %mul3A_19 : i32
    "tpu.region"() ({
      %run_scoped3A = tpu.sem_alloc : memref<!tpu.dma_semaphore, #tpu.memory_space<semaphore_mem>>
      %dma_start3A = tpu.memref_slice %arg22[%mul3A_20] : memref<10240xf32, #tpu.memory_space<vmem_shared>> -> memref<640xf32, #tpu.memory_space<vmem_shared>>
      %dma_start3A_39 = tpu.memref_slice %arg22[%mul3A_20] : memref<10240xf32, #tpu.memory_space<vmem_shared>> -> memref<640xf32, #tpu.memory_space<vmem_shared>>
      tpu.enqueue_dma source(%arg20 : memref<640xf32, #tpu.memory_space<vmem>>) target(%dma_start3A_39 : memref<640xf32, #tpu.memory_space<vmem_shared>>) target_semaphore(%run_scoped3A : memref<!tpu.dma_semaphore, #tpu.memory_space<semaphore_mem>>)
      %dma_wait3A = tpu.memref_slice %arg22[%mul3A_20] : memref<10240xf32, #tpu.memory_space<vmem_shared>> -> memref<640xf32, #tpu.memory_space<vmem_shared>>
      %dma_wait3A_40 = tpu.memref_slice %arg22[%mul3A_20] : memref<10240xf32, #tpu.memory_space<vmem_shared>> -> memref<640xf32, #tpu.memory_space<vmem_shared>>
      tpu.wait_dma2 semaphore(%run_scoped3A : memref<!tpu.dma_semaphore, #tpu.memory_space<semaphore_mem>>) src(%arg20 : memref<640xf32, #tpu.memory_space<vmem>>) dst(%dma_wait3A_40 : memref<640xf32, #tpu.memory_space<vmem_shared>>)
      tpu.yield
    }) : () -> ()
    %barrier3A = arith.constant 0 : index
    tpu.barrier barrier_id(%barrier3A)
    %scan3A_21 = arith.constant 0 : i32
    %scan3A_22 = arith.constant 0 : i32
    %scan3A_23 = arith.constant 125 : i32
    %scan3A_24 = arith.addi %scan3A_22, %scan3A_23 : i32
    %scan3A_25 = arith.constant 1 : i32
    scf.for %scan3A_39 = %scan3A_22 to %scan3A_24 step %scan3A_25  : i32 {
      %mul3A_40 = arith.constant 10000 : i32
      %mul3A_41 = arith.muli %add3A, %mul3A_40 : i32
      %mul3A_42 = arith.constant 80 : i32
      %mul3A_43 = arith.muli %scan3A_39, %mul3A_42 : i32
      %add3A_44 = arith.addi %mul3A_41, %mul3A_43 : i32
      "tpu.region"() ({
        %run_scoped3A = tpu.sem_alloc : memref<!tpu.dma_semaphore, #tpu.memory_space<semaphore_mem>>
        %dma_start3A_73 = tpu.memref_slice %arg6[%add3A_44] : memref<320000xi32, #tpu.memory_space<hbm>> -> memref<80xi32, #tpu.memory_space<hbm>>
        %dma_start3A_74 = tpu.memref_slice %arg6[%add3A_44] : memref<320000xi32, #tpu.memory_space<hbm>> -> memref<80xi32, #tpu.memory_space<hbm>>
        tpu.enqueue_dma source(%dma_start3A_74 : memref<80xi32, #tpu.memory_space<hbm>>) target(%arg14 : memref<80xi32, #tpu.memory_space<vmem>>) target_semaphore(%run_scoped3A : memref<!tpu.dma_semaphore, #tpu.memory_space<semaphore_mem>>)
        %dma_wait3A_75 = tpu.memref_slice %arg6[%add3A_44] : memref<320000xi32, #tpu.memory_space<hbm>> -> memref<80xi32, #tpu.memory_space<hbm>>
        %dma_wait3A_76 = tpu.memref_slice %arg6[%add3A_44] : memref<320000xi32, #tpu.memory_space<hbm>> -> memref<80xi32, #tpu.memory_space<hbm>>
        tpu.wait_dma2 semaphore(%run_scoped3A : memref<!tpu.dma_semaphore, #tpu.memory_space<semaphore_mem>>) src(%dma_wait3A_76 : memref<80xi32, #tpu.memory_space<hbm>>) dst(%arg14 : memref<80xi32, #tpu.memory_space<vmem>>)
        tpu.yield
      }) : () -> ()
      "tpu.region"() ({
        %run_scoped3A = tpu.sem_alloc : memref<!tpu.dma_semaphore, #tpu.memory_space<semaphore_mem>>
        %dma_start3A_73 = tpu.memref_slice %arg7[%add3A_44] : memref<320000xi32, #tpu.memory_space<hbm>> -> memref<80xi32, #tpu.memory_space<hbm>>
        %dma_start3A_74 = tpu.memref_slice %arg7[%add3A_44] : memref<320000xi32, #tpu.memory_space<hbm>> -> memref<80xi32, #tpu.memory_space<hbm>>
        tpu.enqueue_dma source(%dma_start3A_74 : memref<80xi32, #tpu.memory_space<hbm>>) target(%arg15 : memref<80xi32, #tpu.memory_space<vmem>>) target_semaphore(%run_scoped3A : memref<!tpu.dma_semaphore, #tpu.memory_space<semaphore_mem>>)
        %dma_wait3A_75 = tpu.memref_slice %arg7[%add3A_44] : memref<320000xi32, #tpu.memory_space<hbm>> -> memref<80xi32, #tpu.memory_space<hbm>>
        %dma_wait3A_76 = tpu.memref_slice %arg7[%add3A_44] : memref<320000xi32, #tpu.memory_space<hbm>> -> memref<80xi32, #tpu.memory_space<hbm>>
        tpu.wait_dma2 semaphore(%run_scoped3A : memref<!tpu.dma_semaphore, #tpu.memory_space<semaphore_mem>>) src(%dma_wait3A_76 : memref<80xi32, #tpu.memory_space<hbm>>) dst(%arg15 : memref<80xi32, #tpu.memory_space<vmem>>)
        tpu.yield
      }) : () -> ()
      "tpu.region"() ({
        %run_scoped3A = tpu.sem_alloc : memref<!tpu.dma_semaphore, #tpu.memory_space<semaphore_mem>>
        %dma_start3A_73 = tpu.memref_slice %arg8[%add3A_44] : memref<320000xi32, #tpu.memory_space<hbm>> -> memref<80xi32, #tpu.memory_space<hbm>>
        %dma_start3A_74 = tpu.memref_slice %arg8[%add3A_44] : memref<320000xi32, #tpu.memory_space<hbm>> -> memref<80xi32, #tpu.memory_space<hbm>>
        tpu.enqueue_dma source(%dma_start3A_74 : memref<80xi32, #tpu.memory_space<hbm>>) target(%arg16 : memref<80xi32, #tpu.memory_space<vmem>>) target_semaphore(%run_scoped3A : memref<!tpu.dma_semaphore, #tpu.memory_space<semaphore_mem>>)
        %dma_wait3A_75 = tpu.memref_slice %arg8[%add3A_44] : memref<320000xi32, #tpu.memory_space<hbm>> -> memref<80xi32, #tpu.memory_space<hbm>>
        %dma_wait3A_76 = tpu.memref_slice %arg8[%add3A_44] : memref<320000xi32, #tpu.memory_space<hbm>> -> memref<80xi32, #tpu.memory_space<hbm>>
        tpu.wait_dma2 semaphore(%run_scoped3A : memref<!tpu.dma_semaphore, #tpu.memory_space<semaphore_mem>>) src(%dma_wait3A_76 : memref<80xi32, #tpu.memory_space<hbm>>) dst(%arg16 : memref<80xi32, #tpu.memory_space<vmem>>)
        tpu.yield
      }) : () -> ()
      %dma_start3A = arith.constant 0 : i32
      %dma_start3A_45 = tpu.memref_slice %arg3[%dma_start3A] : memref<10000xf32, #tpu.memory_space<hbm>> -> memref<10000xf32, #tpu.memory_space<hbm>>
      tpu.enqueue_indirect_dma source(%dma_start3A_45 : memref<10000xf32, #tpu.memory_space<hbm>>) target(%arg11 : memref<80xf32, #tpu.memory_space<vmem>>) offsets(%arg14 : memref<80xi32, #tpu.memory_space<vmem>>) semaphore(%arg23 : memref<!tpu.dma_semaphore, #tpu.memory_space<semaphore_mem>>)
      %dma_start3A_46 = arith.constant 0 : i32
      %dma_start3A_47 = tpu.memref_slice %arg4[%dma_start3A_46] : memref<10000xf32, #tpu.memory_space<hbm>> -> memref<10000xf32, #tpu.memory_space<hbm>>
      tpu.enqueue_indirect_dma source(%dma_start3A_47 : memref<10000xf32, #tpu.memory_space<hbm>>) target(%arg12 : memref<80xf32, #tpu.memory_space<vmem>>) offsets(%arg15 : memref<80xi32, #tpu.memory_space<vmem>>) semaphore(%arg23 : memref<!tpu.dma_semaphore, #tpu.memory_space<semaphore_mem>>)
      %dma_start3A_48 = arith.constant 0 : i32
      %dma_start3A_49 = tpu.memref_slice %arg5[%dma_start3A_48] : memref<16xf32, #tpu.memory_space<hbm>> -> memref<16xf32, #tpu.memory_space<hbm>>
      tpu.enqueue_indirect_dma source(%dma_start3A_49 : memref<16xf32, #tpu.memory_space<hbm>>) target(%arg13 : memref<80xf32, #tpu.memory_space<vmem>>) offsets(%arg16 : memref<80xi32, #tpu.memory_space<vmem>>) semaphore(%arg23 : memref<!tpu.dma_semaphore, #tpu.memory_space<semaphore_mem>>)
      %dma_start3A_50 = arith.constant 0 : i32
      %dma_start3A_51 = arith.constant 0 : i32
      %dma_start3A_52 = tpu.memref_slice %arg2[%dma_start3A_50, %dma_start3A_51] : memref<10000x128xf32, #tpu.memory_space<hbm>> -> memref<10000x128xf32, #tpu.memory_space<hbm>>
      tpu.enqueue_indirect_dma source(%dma_start3A_52 : memref<10000x128xf32, #tpu.memory_space<hbm>>) target(%arg18 : memref<80x128xf32, #tpu.memory_space<vmem>>) offsets(%arg14 : memref<80xi32, #tpu.memory_space<vmem>>) semaphore(%arg23 : memref<!tpu.dma_semaphore, #tpu.memory_space<semaphore_mem>>)
      %dma_wait3A = arith.constant 0 : i32
      %dma_wait3A_53 = tpu.memref_slice %arg3[%dma_wait3A] : memref<10000xf32, #tpu.memory_space<hbm>> -> memref<10000xf32, #tpu.memory_space<hbm>>
      tpu.wait_indirect_dma semaphore(%arg23 : memref<!tpu.dma_semaphore, #tpu.memory_space<semaphore_mem>>) src(%dma_wait3A_53 : memref<10000xf32, #tpu.memory_space<hbm>>) dst(%arg11 : memref<80xf32, #tpu.memory_space<vmem>>)
      %dma_wait3A_54 = arith.constant 0 : i32
      %dma_wait3A_55 = tpu.memref_slice %arg4[%dma_wait3A_54] : memref<10000xf32, #tpu.memory_space<hbm>> -> memref<10000xf32, #tpu.memory_space<hbm>>
      tpu.wait_indirect_dma semaphore(%arg23 : memref<!tpu.dma_semaphore, #tpu.memory_space<semaphore_mem>>) src(%dma_wait3A_55 : memref<10000xf32, #tpu.memory_space<hbm>>) dst(%arg12 : memref<80xf32, #tpu.memory_space<vmem>>)
      %dma_wait3A_56 = arith.constant 0 : i32
      %dma_wait3A_57 = tpu.memref_slice %arg5[%dma_wait3A_56] : memref<16xf32, #tpu.memory_space<hbm>> -> memref<16xf32, #tpu.memory_space<hbm>>
      tpu.wait_indirect_dma semaphore(%arg23 : memref<!tpu.dma_semaphore, #tpu.memory_space<semaphore_mem>>) src(%dma_wait3A_57 : memref<16xf32, #tpu.memory_space<hbm>>) dst(%arg13 : memref<80xf32, #tpu.memory_space<vmem>>)
      %scan3A_58 = arith.constant 0 : i32
      %scan3A_59 = arith.constant 0 : i32
      %scan3A_60 = arith.constant 5 : i32
      %scan3A_61 = arith.addi %scan3A_59, %scan3A_60 : i32
      %scan3A_62 = arith.constant 1 : i32
      scf.for %scan3A_73 = %scan3A_59 to %scan3A_61 step %scan3A_62  : i32 {
        %mul3A_74 = arith.constant 16 : i32
        %mul3A_75 = arith.muli %scan3A_73, %mul3A_74 : i32
        %get3A = arith.index_cast %mul3A_75 : i32 to index
        %get3A_76 = tpu.vector_load %arg11[%get3A] {strides = array<i32>} : memref<80xf32, #tpu.memory_space<vmem>>, vector<16xf32>,
        %get3A_77 = vector.shape_cast %get3A_76 : vector<16xf32> to vector<16xf32>
        %get3A_78 = arith.index_cast %mul3A_75 : i32 to index
        %get3A_79 = tpu.vector_load %arg12[%get3A_78] {strides = array<i32>} : memref<80xf32, #tpu.memory_space<vmem>>, vector<16xf32>,
        %get3A_80 = vector.shape_cast %get3A_79 : vector<16xf32> to vector<16xf32>
        %add3A_81 = arith.addf %get3A_77, %get3A_80 : vector<16xf32>
        %get3A_82 = arith.index_cast %mul3A_75 : i32 to index
        %get3A_83 = tpu.vector_load %arg13[%get3A_82] {strides = array<i32>} : memref<80xf32, #tpu.memory_space<vmem>>, vector<16xf32>,
        %get3A_84 = vector.shape_cast %get3A_83 : vector<16xf32> to vector<16xf32>
        %add3A_85 = arith.addf %add3A_81, %get3A_84 : vector<16xf32>
        %ge3A = arith.constant 0.000000e+00 : f32
        %ge3A_86 = vector.broadcast %ge3A : f32 to vector<16xf32>
        %ge3A_87 = arith.cmpf oge, %add3A_85, %ge3A_86 : vector<16xf32>
        %mul3A_88 = arith.constant 2.000000e-01 : f32
        %mul3A_89 = vector.broadcast %mul3A_88 : f32 to vector<16xf32>
        %mul3A_90 = arith.mulf %mul3A_89, %add3A_85 : vector<16xf32>
        %select_n3A = arith.select %ge3A_87, %add3A_85, %mul3A_90 : vector<16xi1>, vector<16xf32>
        %exp3A = math.exp %select_n3A : vector<16xf32>
        %swap3A = arith.index_cast %mul3A_75 : i32 to index
        %swap3A_91 = tpu.vector_load %arg17[%swap3A] {strides = array<i32>} : memref<80xf32, #tpu.memory_space<vmem>>, vector<16xf32>,
        %swap3A_92 = vector.shape_cast %swap3A_91 : vector<16xf32> to vector<16xf32>
        %swap3A_93 = vector.shape_cast %exp3A : vector<16xf32> to vector<16xf32>
        tpu.vector_store %arg17[%swap3A], %swap3A_93 {strides = array<i32>} : memref<80xf32, #tpu.memory_space<vmem>>, vector<16xf32>,
      }
      %scan3A_63 = arith.constant 5 : i32
      %dma_wait3A_64 = arith.constant 0 : i32
      %dma_wait3A_65 = arith.constant 0 : i32
      %dma_wait3A_66 = tpu.memref_slice %arg2[%dma_wait3A_64, %dma_wait3A_65] : memref<10000x128xf32, #tpu.memory_space<hbm>> -> memref<10000x128xf32, #tpu.memory_space<hbm>>
      tpu.wait_indirect_dma semaphore(%arg23 : memref<!tpu.dma_semaphore, #tpu.memory_space<semaphore_mem>>) src(%dma_wait3A_66 : memref<10000x128xf32, #tpu.memory_space<hbm>>) dst(%arg18 : memref<80x128xf32, #tpu.memory_space<vmem>>)
      %scan3A_67 = arith.constant 0 : i32
      %scan3A_68 = arith.constant 0 : i32
      %scan3A_69 = arith.constant 5 : i32
      %scan3A_70 = arith.addi %scan3A_68, %scan3A_69 : i32
      %scan3A_71 = arith.constant 1 : i32
      scf.for %scan3A_73 = %scan3A_68 to %scan3A_70 step %scan3A_71  : i32 {
        %mul3A_74 = arith.constant 16 : i32
        %mul3A_75 = arith.muli %scan3A_73, %mul3A_74 : i32
        %get3A = arith.index_cast %mul3A_75 : i32 to index
        %get3A_76 = tpu.vector_load %arg17[%get3A] {strides = array<i32>} : memref<80xf32, #tpu.memory_space<vmem>>, vector<16xf32>,
        %get3A_77 = vector.shape_cast %get3A_76 : vector<16xf32> to vector<16xf32>
        %slice3A = vector.extract_strided_slice %get3A_77 {offsets = [0], sizes = [1], strides = [1]} : vector<16xf32> to vector<1xf32>
        %squeeze3A = vector.extract %slice3A[0] : f32 from vector<1xf32>
        %broadcast_in_dim3A_78 = vector.broadcast %squeeze3A : f32 to vector<16xf32>
        %mul3A_79 = arith.constant 16 : i32
        %mul3A_80 = arith.muli %scan3A_73, %mul3A_79 : i32
        %add3A_81 = arith.constant 0 : i32
        %add3A_82 = arith.addi %mul3A_80, %add3A_81 : i32
        %scan3A_83 = arith.constant 0 : i32
        %scan3A_84 = arith.constant 0 : i32
        %scan3A_85 = arith.constant 8 : i32
        %scan3A_86 = arith.addi %scan3A_84, %scan3A_85 : i32
        %scan3A_87 = arith.constant 1 : i32
        scf.for %scan3A_284 = %scan3A_84 to %scan3A_86 step %scan3A_87  : i32 {
          %mul3A_285 = arith.constant 16 : i32
          %mul3A_286 = arith.muli %scan3A_284, %mul3A_285 : i32
          %get3A_287 = arith.index_cast %add3A_82 : i32 to index
          %get3A_288 = arith.index_cast %mul3A_286 : i32 to index
          %get3A_289 = tpu.vector_load %arg18[%get3A_287, %get3A_288] {strides = array<i32>} : memref<80x128xf32, #tpu.memory_space<vmem>>, vector<1x16xf32>,
          %get3A_290 = vector.shape_cast %get3A_289 : vector<1x16xf32> to vector<16xf32>
          %mul3A_291 = arith.mulf %get3A_290, %broadcast_in_dim3A_78 : vector<16xf32>
          %mul3A_292 = arith.constant 16 : i32
          %mul3A_293 = arith.muli %scan3A_284, %mul3A_292 : i32
          %swap3A = arith.index_cast %add3A_82 : i32 to index
          %swap3A_294 = arith.index_cast %mul3A_293 : i32 to index
          %swap3A_295 = tpu.vector_load %arg18[%swap3A, %swap3A_294] {strides = array<i32>} : memref<80x128xf32, #tpu.memory_space<vmem>>, vector<1x16xf32>,
          %swap3A_296 = vector.shape_cast %swap3A_295 : vector<1x16xf32> to vector<16xf32>
          %swap3A_297 = vector.shape_cast %mul3A_291 : vector<16xf32> to vector<1x16xf32>
          tpu.vector_store %arg18[%swap3A, %swap3A_294], %swap3A_297 {strides = array<i32>} : memref<80x128xf32, #tpu.memory_space<vmem>>, vector<1x16xf32>,
        }
        %scan3A_88 = arith.constant 8 : i32
        %slice3A_89 = vector.extract_strided_slice %get3A_77 {offsets = [1], sizes = [1], strides = [1]} : vector<16xf32> to vector<1xf32>
        %squeeze3A_90 = vector.extract %slice3A_89[0] : f32 from vector<1xf32>
        %broadcast_in_dim3A_91 = vector.broadcast %squeeze3A_90 : f32 to vector<16xf32>
        %mul3A_92 = arith.constant 16 : i32
        %mul3A_93 = arith.muli %scan3A_73, %mul3A_92 : i32
        %add3A_94 = arith.constant 1 : i32
        %add3A_95 = arith.addi %mul3A_93, %add3A_94 : i32
        %scan3A_96 = arith.constant 0 : i32
        %scan3A_97 = arith.constant 0 : i32
        %scan3A_98 = arith.constant 8 : i32
        %scan3A_99 = arith.addi %scan3A_97, %scan3A_98 : i32
        %scan3A_100 = arith.constant 1 : i32
        scf.for %scan3A_284 = %scan3A_97 to %scan3A_99 step %scan3A_100  : i32 {
          %mul3A_285 = arith.constant 16 : i32
          %mul3A_286 = arith.muli %scan3A_284, %mul3A_285 : i32
          %get3A_287 = arith.index_cast %add3A_95 : i32 to index
          %get3A_288 = arith.index_cast %mul3A_286 : i32 to index
          %get3A_289 = tpu.vector_load %arg18[%get3A_287, %get3A_288] {strides = array<i32>} : memref<80x128xf32, #tpu.memory_space<vmem>>, vector<1x16xf32>,
          %get3A_290 = vector.shape_cast %get3A_289 : vector<1x16xf32> to vector<16xf32>
          %mul3A_291 = arith.mulf %get3A_290, %broadcast_in_dim3A_91 : vector<16xf32>
          %mul3A_292 = arith.constant 16 : i32
          %mul3A_293 = arith.muli %scan3A_284, %mul3A_292 : i32
          %swap3A = arith.index_cast %add3A_95 : i32 to index
          %swap3A_294 = arith.index_cast %mul3A_293 : i32 to index
          %swap3A_295 = tpu.vector_load %arg18[%swap3A, %swap3A_294] {strides = array<i32>} : memref<80x128xf32, #tpu.memory_space<vmem>>, vector<1x16xf32>,
          %swap3A_296 = vector.shape_cast %swap3A_295 : vector<1x16xf32> to vector<16xf32>
          %swap3A_297 = vector.shape_cast %mul3A_291 : vector<16xf32> to vector<1x16xf32>
          tpu.vector_store %arg18[%swap3A, %swap3A_294], %swap3A_297 {strides = array<i32>} : memref<80x128xf32, #tpu.memory_space<vmem>>, vector<1x16xf32>,
        }
        %scan3A_101 = arith.constant 8 : i32
        %slice3A_102 = vector.extract_strided_slice %get3A_77 {offsets = [2], sizes = [1], strides = [1]} : vector<16xf32> to vector<1xf32>
        %squeeze3A_103 = vector.extract %slice3A_102[0] : f32 from vector<1xf32>
        %broadcast_in_dim3A_104 = vector.broadcast %squeeze3A_103 : f32 to vector<16xf32>
        %mul3A_105 = arith.constant 16 : i32
        %mul3A_106 = arith.muli %scan3A_73, %mul3A_105 : i32
        %add3A_107 = arith.constant 2 : i32
        %add3A_108 = arith.addi %mul3A_106, %add3A_107 : i32
        %scan3A_109 = arith.constant 0 : i32
        %scan3A_110 = arith.constant 0 : i32
        %scan3A_111 = arith.constant 8 : i32
        %scan3A_112 = arith.addi %scan3A_110, %scan3A_111 : i32
        %scan3A_113 = arith.constant 1 : i32
        scf.for %scan3A_284 = %scan3A_110 to %scan3A_112 step %scan3A_113  : i32 {
          %mul3A_285 = arith.constant 16 : i32
          %mul3A_286 = arith.muli %scan3A_284, %mul3A_285 : i32
          %get3A_287 = arith.index_cast %add3A_108 : i32 to index
          %get3A_288 = arith.index_cast %mul3A_286 : i32 to index
          %get3A_289 = tpu.vector_load %arg18[%get3A_287, %get3A_288] {strides = array<i32>} : memref<80x128xf32, #tpu.memory_space<vmem>>, vector<1x16xf32>,
          %get3A_290 = vector.shape_cast %get3A_289 : vector<1x16xf32> to vector<16xf32>
          %mul3A_291 = arith.mulf %get3A_290, %broadcast_in_dim3A_104 : vector<16xf32>
          %mul3A_292 = arith.constant 16 : i32
          %mul3A_293 = arith.muli %scan3A_284, %mul3A_292 : i32
          %swap3A = arith.index_cast %add3A_108 : i32 to index
          %swap3A_294 = arith.index_cast %mul3A_293 : i32 to index
          %swap3A_295 = tpu.vector_load %arg18[%swap3A, %swap3A_294] {strides = array<i32>} : memref<80x128xf32, #tpu.memory_space<vmem>>, vector<1x16xf32>,
          %swap3A_296 = vector.shape_cast %swap3A_295 : vector<1x16xf32> to vector<16xf32>
          %swap3A_297 = vector.shape_cast %mul3A_291 : vector<16xf32> to vector<1x16xf32>
          tpu.vector_store %arg18[%swap3A, %swap3A_294], %swap3A_297 {strides = array<i32>} : memref<80x128xf32, #tpu.memory_space<vmem>>, vector<1x16xf32>,
        }
        %scan3A_114 = arith.constant 8 : i32
        %slice3A_115 = vector.extract_strided_slice %get3A_77 {offsets = [3], sizes = [1], strides = [1]} : vector<16xf32> to vector<1xf32>
        %squeeze3A_116 = vector.extract %slice3A_115[0] : f32 from vector<1xf32>
        %broadcast_in_dim3A_117 = vector.broadcast %squeeze3A_116 : f32 to vector<16xf32>
        %mul3A_118 = arith.constant 16 : i32
        %mul3A_119 = arith.muli %scan3A_73, %mul3A_118 : i32
        %add3A_120 = arith.constant 3 : i32
        %add3A_121 = arith.addi %mul3A_119, %add3A_120 : i32
        %scan3A_122 = arith.constant 0 : i32
        %scan3A_123 = arith.constant 0 : i32
        %scan3A_124 = arith.constant 8 : i32
        %scan3A_125 = arith.addi %scan3A_123, %scan3A_124 : i32
        %scan3A_126 = arith.constant 1 : i32
        scf.for %scan3A_284 = %scan3A_123 to %scan3A_125 step %scan3A_126  : i32 {
          %mul3A_285 = arith.constant 16 : i32
          %mul3A_286 = arith.muli %scan3A_284, %mul3A_285 : i32
          %get3A_287 = arith.index_cast %add3A_121 : i32 to index
          %get3A_288 = arith.index_cast %mul3A_286 : i32 to index
          %get3A_289 = tpu.vector_load %arg18[%get3A_287, %get3A_288] {strides = array<i32>} : memref<80x128xf32, #tpu.memory_space<vmem>>, vector<1x16xf32>,
          %get3A_290 = vector.shape_cast %get3A_289 : vector<1x16xf32> to vector<16xf32>
          %mul3A_291 = arith.mulf %get3A_290, %broadcast_in_dim3A_117 : vector<16xf32>
          %mul3A_292 = arith.constant 16 : i32
          %mul3A_293 = arith.muli %scan3A_284, %mul3A_292 : i32
          %swap3A = arith.index_cast %add3A_121 : i32 to index
          %swap3A_294 = arith.index_cast %mul3A_293 : i32 to index
          %swap3A_295 = tpu.vector_load %arg18[%swap3A, %swap3A_294] {strides = array<i32>} : memref<80x128xf32, #tpu.memory_space<vmem>>, vector<1x16xf32>,
          %swap3A_296 = vector.shape_cast %swap3A_295 : vector<1x16xf32> to vector<16xf32>
          %swap3A_297 = vector.shape_cast %mul3A_291 : vector<16xf32> to vector<1x16xf32>
          tpu.vector_store %arg18[%swap3A, %swap3A_294], %swap3A_297 {strides = array<i32>} : memref<80x128xf32, #tpu.memory_space<vmem>>, vector<1x16xf32>,
        }
        %scan3A_127 = arith.constant 8 : i32
        %slice3A_128 = vector.extract_strided_slice %get3A_77 {offsets = [4], sizes = [1], strides = [1]} : vector<16xf32> to vector<1xf32>
        %squeeze3A_129 = vector.extract %slice3A_128[0] : f32 from vector<1xf32>
        %broadcast_in_dim3A_130 = vector.broadcast %squeeze3A_129 : f32 to vector<16xf32>
        %mul3A_131 = arith.constant 16 : i32
        %mul3A_132 = arith.muli %scan3A_73, %mul3A_131 : i32
        %add3A_133 = arith.constant 4 : i32
        %add3A_134 = arith.addi %mul3A_132, %add3A_133 : i32
        %scan3A_135 = arith.constant 0 : i32
        %scan3A_136 = arith.constant 0 : i32
        %scan3A_137 = arith.constant 8 : i32
        %scan3A_138 = arith.addi %scan3A_136, %scan3A_137 : i32
        %scan3A_139 = arith.constant 1 : i32
        scf.for %scan3A_284 = %scan3A_136 to %scan3A_138 step %scan3A_139  : i32 {
          %mul3A_285 = arith.constant 16 : i32
          %mul3A_286 = arith.muli %scan3A_284, %mul3A_285 : i32
          %get3A_287 = arith.index_cast %add3A_134 : i32 to index
          %get3A_288 = arith.index_cast %mul3A_286 : i32 to index
          %get3A_289 = tpu.vector_load %arg18[%get3A_287, %get3A_288] {strides = array<i32>} : memref<80x128xf32, #tpu.memory_space<vmem>>, vector<1x16xf32>,
          %get3A_290 = vector.shape_cast %get3A_289 : vector<1x16xf32> to vector<16xf32>
          %mul3A_291 = arith.mulf %get3A_290, %broadcast_in_dim3A_130 : vector<16xf32>
          %mul3A_292 = arith.constant 16 : i32
          %mul3A_293 = arith.muli %scan3A_284, %mul3A_292 : i32
          %swap3A = arith.index_cast %add3A_134 : i32 to index
          %swap3A_294 = arith.index_cast %mul3A_293 : i32 to index
          %swap3A_295 = tpu.vector_load %arg18[%swap3A, %swap3A_294] {strides = array<i32>} : memref<80x128xf32, #tpu.memory_space<vmem>>, vector<1x16xf32>,
          %swap3A_296 = vector.shape_cast %swap3A_295 : vector<1x16xf32> to vector<16xf32>
          %swap3A_297 = vector.shape_cast %mul3A_291 : vector<16xf32> to vector<1x16xf32>
          tpu.vector_store %arg18[%swap3A, %swap3A_294], %swap3A_297 {strides = array<i32>} : memref<80x128xf32, #tpu.memory_space<vmem>>, vector<1x16xf32>,
        }
        %scan3A_140 = arith.constant 8 : i32
        %slice3A_141 = vector.extract_strided_slice %get3A_77 {offsets = [5], sizes = [1], strides = [1]} : vector<16xf32> to vector<1xf32>
        %squeeze3A_142 = vector.extract %slice3A_141[0] : f32 from vector<1xf32>
        %broadcast_in_dim3A_143 = vector.broadcast %squeeze3A_142 : f32 to vector<16xf32>
        %mul3A_144 = arith.constant 16 : i32
        %mul3A_145 = arith.muli %scan3A_73, %mul3A_144 : i32
        %add3A_146 = arith.constant 5 : i32
        %add3A_147 = arith.addi %mul3A_145, %add3A_146 : i32
        %scan3A_148 = arith.constant 0 : i32
        %scan3A_149 = arith.constant 0 : i32
        %scan3A_150 = arith.constant 8 : i32
        %scan3A_151 = arith.addi %scan3A_149, %scan3A_150 : i32
        %scan3A_152 = arith.constant 1 : i32
        scf.for %scan3A_284 = %scan3A_149 to %scan3A_151 step %scan3A_152  : i32 {
          %mul3A_285 = arith.constant 16 : i32
          %mul3A_286 = arith.muli %scan3A_284, %mul3A_285 : i32
          %get3A_287 = arith.index_cast %add3A_147 : i32 to index
          %get3A_288 = arith.index_cast %mul3A_286 : i32 to index
          %get3A_289 = tpu.vector_load %arg18[%get3A_287, %get3A_288] {strides = array<i32>} : memref<80x128xf32, #tpu.memory_space<vmem>>, vector<1x16xf32>,
          %get3A_290 = vector.shape_cast %get3A_289 : vector<1x16xf32> to vector<16xf32>
          %mul3A_291 = arith.mulf %get3A_290, %broadcast_in_dim3A_143 : vector<16xf32>
          %mul3A_292 = arith.constant 16 : i32
          %mul3A_293 = arith.muli %scan3A_284, %mul3A_292 : i32
          %swap3A = arith.index_cast %add3A_147 : i32 to index
          %swap3A_294 = arith.index_cast %mul3A_293 : i32 to index
          %swap3A_295 = tpu.vector_load %arg18[%swap3A, %swap3A_294] {strides = array<i32>} : memref<80x128xf32, #tpu.memory_space<vmem>>, vector<1x16xf32>,
          %swap3A_296 = vector.shape_cast %swap3A_295 : vector<1x16xf32> to vector<16xf32>
          %swap3A_297 = vector.shape_cast %mul3A_291 : vector<16xf32> to vector<1x16xf32>
          tpu.vector_store %arg18[%swap3A, %swap3A_294], %swap3A_297 {strides = array<i32>} : memref<80x128xf32, #tpu.memory_space<vmem>>, vector<1x16xf32>,
        }
        %scan3A_153 = arith.constant 8 : i32
        %slice3A_154 = vector.extract_strided_slice %get3A_77 {offsets = [6], sizes = [1], strides = [1]} : vector<16xf32> to vector<1xf32>
        %squeeze3A_155 = vector.extract %slice3A_154[0] : f32 from vector<1xf32>
        %broadcast_in_dim3A_156 = vector.broadcast %squeeze3A_155 : f32 to vector<16xf32>
        %mul3A_157 = arith.constant 16 : i32
        %mul3A_158 = arith.muli %scan3A_73, %mul3A_157 : i32
        %add3A_159 = arith.constant 6 : i32
        %add3A_160 = arith.addi %mul3A_158, %add3A_159 : i32
        %scan3A_161 = arith.constant 0 : i32
        %scan3A_162 = arith.constant 0 : i32
        %scan3A_163 = arith.constant 8 : i32
        %scan3A_164 = arith.addi %scan3A_162, %scan3A_163 : i32
        %scan3A_165 = arith.constant 1 : i32
        scf.for %scan3A_284 = %scan3A_162 to %scan3A_164 step %scan3A_165  : i32 {
          %mul3A_285 = arith.constant 16 : i32
          %mul3A_286 = arith.muli %scan3A_284, %mul3A_285 : i32
          %get3A_287 = arith.index_cast %add3A_160 : i32 to index
          %get3A_288 = arith.index_cast %mul3A_286 : i32 to index
          %get3A_289 = tpu.vector_load %arg18[%get3A_287, %get3A_288] {strides = array<i32>} : memref<80x128xf32, #tpu.memory_space<vmem>>, vector<1x16xf32>,
          %get3A_290 = vector.shape_cast %get3A_289 : vector<1x16xf32> to vector<16xf32>
          %mul3A_291 = arith.mulf %get3A_290, %broadcast_in_dim3A_156 : vector<16xf32>
          %mul3A_292 = arith.constant 16 : i32
          %mul3A_293 = arith.muli %scan3A_284, %mul3A_292 : i32
          %swap3A = arith.index_cast %add3A_160 : i32 to index
          %swap3A_294 = arith.index_cast %mul3A_293 : i32 to index
          %swap3A_295 = tpu.vector_load %arg18[%swap3A, %swap3A_294] {strides = array<i32>} : memref<80x128xf32, #tpu.memory_space<vmem>>, vector<1x16xf32>,
          %swap3A_296 = vector.shape_cast %swap3A_295 : vector<1x16xf32> to vector<16xf32>
          %swap3A_297 = vector.shape_cast %mul3A_291 : vector<16xf32> to vector<1x16xf32>
          tpu.vector_store %arg18[%swap3A, %swap3A_294], %swap3A_297 {strides = array<i32>} : memref<80x128xf32, #tpu.memory_space<vmem>>, vector<1x16xf32>,
        }
        %scan3A_166 = arith.constant 8 : i32
        %slice3A_167 = vector.extract_strided_slice %get3A_77 {offsets = [7], sizes = [1], strides = [1]} : vector<16xf32> to vector<1xf32>
        %squeeze3A_168 = vector.extract %slice3A_167[0] : f32 from vector<1xf32>
        %broadcast_in_dim3A_169 = vector.broadcast %squeeze3A_168 : f32 to vector<16xf32>
        %mul3A_170 = arith.constant 16 : i32
        %mul3A_171 = arith.muli %scan3A_73, %mul3A_170 : i32
        %add3A_172 = arith.constant 7 : i32
        %add3A_173 = arith.addi %mul3A_171, %add3A_172 : i32
        %scan3A_174 = arith.constant 0 : i32
        %scan3A_175 = arith.constant 0 : i32
        %scan3A_176 = arith.constant 8 : i32
        %scan3A_177 = arith.addi %scan3A_175, %scan3A_176 : i32
        %scan3A_178 = arith.constant 1 : i32
        scf.for %scan3A_284 = %scan3A_175 to %scan3A_177 step %scan3A_178  : i32 {
          %mul3A_285 = arith.constant 16 : i32
          %mul3A_286 = arith.muli %scan3A_284, %mul3A_285 : i32
          %get3A_287 = arith.index_cast %add3A_173 : i32 to index
          %get3A_288 = arith.index_cast %mul3A_286 : i32 to index
          %get3A_289 = tpu.vector_load %arg18[%get3A_287, %get3A_288] {strides = array<i32>} : memref<80x128xf32, #tpu.memory_space<vmem>>, vector<1x16xf32>,
          %get3A_290 = vector.shape_cast %get3A_289 : vector<1x16xf32> to vector<16xf32>
          %mul3A_291 = arith.mulf %get3A_290, %broadcast_in_dim3A_169 : vector<16xf32>
          %mul3A_292 = arith.constant 16 : i32
          %mul3A_293 = arith.muli %scan3A_284, %mul3A_292 : i32
          %swap3A = arith.index_cast %add3A_173 : i32 to index
          %swap3A_294 = arith.index_cast %mul3A_293 : i32 to index
          %swap3A_295 = tpu.vector_load %arg18[%swap3A, %swap3A_294] {strides = array<i32>} : memref<80x128xf32, #tpu.memory_space<vmem>>, vector<1x16xf32>,
          %swap3A_296 = vector.shape_cast %swap3A_295 : vector<1x16xf32> to vector<16xf32>
          %swap3A_297 = vector.shape_cast %mul3A_291 : vector<16xf32> to vector<1x16xf32>
          tpu.vector_store %arg18[%swap3A, %swap3A_294], %swap3A_297 {strides = array<i32>} : memref<80x128xf32, #tpu.memory_space<vmem>>, vector<1x16xf32>,
        }
        %scan3A_179 = arith.constant 8 : i32
        %slice3A_180 = vector.extract_strided_slice %get3A_77 {offsets = [8], sizes = [1], strides = [1]} : vector<16xf32> to vector<1xf32>
        %squeeze3A_181 = vector.extract %slice3A_180[0] : f32 from vector<1xf32>
        %broadcast_in_dim3A_182 = vector.broadcast %squeeze3A_181 : f32 to vector<16xf32>
        %mul3A_183 = arith.constant 16 : i32
        %mul3A_184 = arith.muli %scan3A_73, %mul3A_183 : i32
        %add3A_185 = arith.constant 8 : i32
        %add3A_186 = arith.addi %mul3A_184, %add3A_185 : i32
        %scan3A_187 = arith.constant 0 : i32
        %scan3A_188 = arith.constant 0 : i32
        %scan3A_189 = arith.constant 8 : i32
        %scan3A_190 = arith.addi %scan3A_188, %scan3A_189 : i32
        %scan3A_191 = arith.constant 1 : i32
        scf.for %scan3A_284 = %scan3A_188 to %scan3A_190 step %scan3A_191  : i32 {
          %mul3A_285 = arith.constant 16 : i32
          %mul3A_286 = arith.muli %scan3A_284, %mul3A_285 : i32
          %get3A_287 = arith.index_cast %add3A_186 : i32 to index
          %get3A_288 = arith.index_cast %mul3A_286 : i32 to index
          %get3A_289 = tpu.vector_load %arg18[%get3A_287, %get3A_288] {strides = array<i32>} : memref<80x128xf32, #tpu.memory_space<vmem>>, vector<1x16xf32>,
          %get3A_290 = vector.shape_cast %get3A_289 : vector<1x16xf32> to vector<16xf32>
          %mul3A_291 = arith.mulf %get3A_290, %broadcast_in_dim3A_182 : vector<16xf32>
          %mul3A_292 = arith.constant 16 : i32
          %mul3A_293 = arith.muli %scan3A_284, %mul3A_292 : i32
          %swap3A = arith.index_cast %add3A_186 : i32 to index
          %swap3A_294 = arith.index_cast %mul3A_293 : i32 to index
          %swap3A_295 = tpu.vector_load %arg18[%swap3A, %swap3A_294] {strides = array<i32>} : memref<80x128xf32, #tpu.memory_space<vmem>>, vector<1x16xf32>,
          %swap3A_296 = vector.shape_cast %swap3A_295 : vector<1x16xf32> to vector<16xf32>
          %swap3A_297 = vector.shape_cast %mul3A_291 : vector<16xf32> to vector<1x16xf32>
          tpu.vector_store %arg18[%swap3A, %swap3A_294], %swap3A_297 {strides = array<i32>} : memref<80x128xf32, #tpu.memory_space<vmem>>, vector<1x16xf32>,
        }
        %scan3A_192 = arith.constant 8 : i32
        %slice3A_193 = vector.extract_strided_slice %get3A_77 {offsets = [9], sizes = [1], strides = [1]} : vector<16xf32> to vector<1xf32>
        %squeeze3A_194 = vector.extract %slice3A_193[0] : f32 from vector<1xf32>
        %broadcast_in_dim3A_195 = vector.broadcast %squeeze3A_194 : f32 to vector<16xf32>
        %mul3A_196 = arith.constant 16 : i32
        %mul3A_197 = arith.muli %scan3A_73, %mul3A_196 : i32
        %add3A_198 = arith.constant 9 : i32
        %add3A_199 = arith.addi %mul3A_197, %add3A_198 : i32
        %scan3A_200 = arith.constant 0 : i32
        %scan3A_201 = arith.constant 0 : i32
        %scan3A_202 = arith.constant 8 : i32
        %scan3A_203 = arith.addi %scan3A_201, %scan3A_202 : i32
        %scan3A_204 = arith.constant 1 : i32
        scf.for %scan3A_284 = %scan3A_201 to %scan3A_203 step %scan3A_204  : i32 {
          %mul3A_285 = arith.constant 16 : i32
          %mul3A_286 = arith.muli %scan3A_284, %mul3A_285 : i32
          %get3A_287 = arith.index_cast %add3A_199 : i32 to index
          %get3A_288 = arith.index_cast %mul3A_286 : i32 to index
          %get3A_289 = tpu.vector_load %arg18[%get3A_287, %get3A_288] {strides = array<i32>} : memref<80x128xf32, #tpu.memory_space<vmem>>, vector<1x16xf32>,
          %get3A_290 = vector.shape_cast %get3A_289 : vector<1x16xf32> to vector<16xf32>
          %mul3A_291 = arith.mulf %get3A_290, %broadcast_in_dim3A_195 : vector<16xf32>
          %mul3A_292 = arith.constant 16 : i32
          %mul3A_293 = arith.muli %scan3A_284, %mul3A_292 : i32
          %swap3A = arith.index_cast %add3A_199 : i32 to index
          %swap3A_294 = arith.index_cast %mul3A_293 : i32 to index
          %swap3A_295 = tpu.vector_load %arg18[%swap3A, %swap3A_294] {strides = array<i32>} : memref<80x128xf32, #tpu.memory_space<vmem>>, vector<1x16xf32>,
          %swap3A_296 = vector.shape_cast %swap3A_295 : vector<1x16xf32> to vector<16xf32>
          %swap3A_297 = vector.shape_cast %mul3A_291 : vector<16xf32> to vector<1x16xf32>
          tpu.vector_store %arg18[%swap3A, %swap3A_294], %swap3A_297 {strides = array<i32>} : memref<80x128xf32, #tpu.memory_space<vmem>>, vector<1x16xf32>,
        }
        %scan3A_205 = arith.constant 8 : i32
        %slice3A_206 = vector.extract_strided_slice %get3A_77 {offsets = [10], sizes = [1], strides = [1]} : vector<16xf32> to vector<1xf32>
        %squeeze3A_207 = vector.extract %slice3A_206[0] : f32 from vector<1xf32>
        %broadcast_in_dim3A_208 = vector.broadcast %squeeze3A_207 : f32 to vector<16xf32>
        %mul3A_209 = arith.constant 16 : i32
        %mul3A_210 = arith.muli %scan3A_73, %mul3A_209 : i32
        %add3A_211 = arith.constant 10 : i32
        %add3A_212 = arith.addi %mul3A_210, %add3A_211 : i32
        %scan3A_213 = arith.constant 0 : i32
        %scan3A_214 = arith.constant 0 : i32
        %scan3A_215 = arith.constant 8 : i32
        %scan3A_216 = arith.addi %scan3A_214, %scan3A_215 : i32
        %scan3A_217 = arith.constant 1 : i32
        scf.for %scan3A_284 = %scan3A_214 to %scan3A_216 step %scan3A_217  : i32 {
          %mul3A_285 = arith.constant 16 : i32
          %mul3A_286 = arith.muli %scan3A_284, %mul3A_285 : i32
          %get3A_287 = arith.index_cast %add3A_212 : i32 to index
          %get3A_288 = arith.index_cast %mul3A_286 : i32 to index
          %get3A_289 = tpu.vector_load %arg18[%get3A_287, %get3A_288] {strides = array<i32>} : memref<80x128xf32, #tpu.memory_space<vmem>>, vector<1x16xf32>,
          %get3A_290 = vector.shape_cast %get3A_289 : vector<1x16xf32> to vector<16xf32>
          %mul3A_291 = arith.mulf %get3A_290, %broadcast_in_dim3A_208 : vector<16xf32>
          %mul3A_292 = arith.constant 16 : i32
          %mul3A_293 = arith.muli %scan3A_284, %mul3A_292 : i32
          %swap3A = arith.index_cast %add3A_212 : i32 to index
          %swap3A_294 = arith.index_cast %mul3A_293 : i32 to index
          %swap3A_295 = tpu.vector_load %arg18[%swap3A, %swap3A_294] {strides = array<i32>} : memref<80x128xf32, #tpu.memory_space<vmem>>, vector<1x16xf32>,
          %swap3A_296 = vector.shape_cast %swap3A_295 : vector<1x16xf32> to vector<16xf32>
          %swap3A_297 = vector.shape_cast %mul3A_291 : vector<16xf32> to vector<1x16xf32>
          tpu.vector_store %arg18[%swap3A, %swap3A_294], %swap3A_297 {strides = array<i32>} : memref<80x128xf32, #tpu.memory_space<vmem>>, vector<1x16xf32>,
        }
        %scan3A_218 = arith.constant 8 : i32
        %slice3A_219 = vector.extract_strided_slice %get3A_77 {offsets = [11], sizes = [1], strides = [1]} : vector<16xf32> to vector<1xf32>
        %squeeze3A_220 = vector.extract %slice3A_219[0] : f32 from vector<1xf32>
        %broadcast_in_dim3A_221 = vector.broadcast %squeeze3A_220 : f32 to vector<16xf32>
        %mul3A_222 = arith.constant 16 : i32
        %mul3A_223 = arith.muli %scan3A_73, %mul3A_222 : i32
        %add3A_224 = arith.constant 11 : i32
        %add3A_225 = arith.addi %mul3A_223, %add3A_224 : i32
        %scan3A_226 = arith.constant 0 : i32
        %scan3A_227 = arith.constant 0 : i32
        %scan3A_228 = arith.constant 8 : i32
        %scan3A_229 = arith.addi %scan3A_227, %scan3A_228 : i32
        %scan3A_230 = arith.constant 1 : i32
        scf.for %scan3A_284 = %scan3A_227 to %scan3A_229 step %scan3A_230  : i32 {
          %mul3A_285 = arith.constant 16 : i32
          %mul3A_286 = arith.muli %scan3A_284, %mul3A_285 : i32
          %get3A_287 = arith.index_cast %add3A_225 : i32 to index
          %get3A_288 = arith.index_cast %mul3A_286 : i32 to index
          %get3A_289 = tpu.vector_load %arg18[%get3A_287, %get3A_288] {strides = array<i32>} : memref<80x128xf32, #tpu.memory_space<vmem>>, vector<1x16xf32>,
          %get3A_290 = vector.shape_cast %get3A_289 : vector<1x16xf32> to vector<16xf32>
          %mul3A_291 = arith.mulf %get3A_290, %broadcast_in_dim3A_221 : vector<16xf32>
          %mul3A_292 = arith.constant 16 : i32
          %mul3A_293 = arith.muli %scan3A_284, %mul3A_292 : i32
          %swap3A = arith.index_cast %add3A_225 : i32 to index
          %swap3A_294 = arith.index_cast %mul3A_293 : i32 to index
          %swap3A_295 = tpu.vector_load %arg18[%swap3A, %swap3A_294] {strides = array<i32>} : memref<80x128xf32, #tpu.memory_space<vmem>>, vector<1x16xf32>,
          %swap3A_296 = vector.shape_cast %swap3A_295 : vector<1x16xf32> to vector<16xf32>
          %swap3A_297 = vector.shape_cast %mul3A_291 : vector<16xf32> to vector<1x16xf32>
          tpu.vector_store %arg18[%swap3A, %swap3A_294], %swap3A_297 {strides = array<i32>} : memref<80x128xf32, #tpu.memory_space<vmem>>, vector<1x16xf32>,
        }
        %scan3A_231 = arith.constant 8 : i32
        %slice3A_232 = vector.extract_strided_slice %get3A_77 {offsets = [12], sizes = [1], strides = [1]} : vector<16xf32> to vector<1xf32>
        %squeeze3A_233 = vector.extract %slice3A_232[0] : f32 from vector<1xf32>
        %broadcast_in_dim3A_234 = vector.broadcast %squeeze3A_233 : f32 to vector<16xf32>
        %mul3A_235 = arith.constant 16 : i32
        %mul3A_236 = arith.muli %scan3A_73, %mul3A_235 : i32
        %add3A_237 = arith.constant 12 : i32
        %add3A_238 = arith.addi %mul3A_236, %add3A_237 : i32
        %scan3A_239 = arith.constant 0 : i32
        %scan3A_240 = arith.constant 0 : i32
        %scan3A_241 = arith.constant 8 : i32
        %scan3A_242 = arith.addi %scan3A_240, %scan3A_241 : i32
        %scan3A_243 = arith.constant 1 : i32
        scf.for %scan3A_284 = %scan3A_240 to %scan3A_242 step %scan3A_243  : i32 {
          %mul3A_285 = arith.constant 16 : i32
          %mul3A_286 = arith.muli %scan3A_284, %mul3A_285 : i32
          %get3A_287 = arith.index_cast %add3A_238 : i32 to index
          %get3A_288 = arith.index_cast %mul3A_286 : i32 to index
          %get3A_289 = tpu.vector_load %arg18[%get3A_287, %get3A_288] {strides = array<i32>} : memref<80x128xf32, #tpu.memory_space<vmem>>, vector<1x16xf32>,
          %get3A_290 = vector.shape_cast %get3A_289 : vector<1x16xf32> to vector<16xf32>
          %mul3A_291 = arith.mulf %get3A_290, %broadcast_in_dim3A_234 : vector<16xf32>
          %mul3A_292 = arith.constant 16 : i32
          %mul3A_293 = arith.muli %scan3A_284, %mul3A_292 : i32
          %swap3A = arith.index_cast %add3A_238 : i32 to index
          %swap3A_294 = arith.index_cast %mul3A_293 : i32 to index
          %swap3A_295 = tpu.vector_load %arg18[%swap3A, %swap3A_294] {strides = array<i32>} : memref<80x128xf32, #tpu.memory_space<vmem>>, vector<1x16xf32>,
          %swap3A_296 = vector.shape_cast %swap3A_295 : vector<1x16xf32> to vector<16xf32>
          %swap3A_297 = vector.shape_cast %mul3A_291 : vector<16xf32> to vector<1x16xf32>
          tpu.vector_store %arg18[%swap3A, %swap3A_294], %swap3A_297 {strides = array<i32>} : memref<80x128xf32, #tpu.memory_space<vmem>>, vector<1x16xf32>,
        }
        %scan3A_244 = arith.constant 8 : i32
        %slice3A_245 = vector.extract_strided_slice %get3A_77 {offsets = [13], sizes = [1], strides = [1]} : vector<16xf32> to vector<1xf32>
        %squeeze3A_246 = vector.extract %slice3A_245[0] : f32 from vector<1xf32>
        %broadcast_in_dim3A_247 = vector.broadcast %squeeze3A_246 : f32 to vector<16xf32>
        %mul3A_248 = arith.constant 16 : i32
        %mul3A_249 = arith.muli %scan3A_73, %mul3A_248 : i32
        %add3A_250 = arith.constant 13 : i32
        %add3A_251 = arith.addi %mul3A_249, %add3A_250 : i32
        %scan3A_252 = arith.constant 0 : i32
        %scan3A_253 = arith.constant 0 : i32
        %scan3A_254 = arith.constant 8 : i32
        %scan3A_255 = arith.addi %scan3A_253, %scan3A_254 : i32
        %scan3A_256 = arith.constant 1 : i32
        scf.for %scan3A_284 = %scan3A_253 to %scan3A_255 step %scan3A_256  : i32 {
          %mul3A_285 = arith.constant 16 : i32
          %mul3A_286 = arith.muli %scan3A_284, %mul3A_285 : i32
          %get3A_287 = arith.index_cast %add3A_251 : i32 to index
          %get3A_288 = arith.index_cast %mul3A_286 : i32 to index
          %get3A_289 = tpu.vector_load %arg18[%get3A_287, %get3A_288] {strides = array<i32>} : memref<80x128xf32, #tpu.memory_space<vmem>>, vector<1x16xf32>,
          %get3A_290 = vector.shape_cast %get3A_289 : vector<1x16xf32> to vector<16xf32>
          %mul3A_291 = arith.mulf %get3A_290, %broadcast_in_dim3A_247 : vector<16xf32>
          %mul3A_292 = arith.constant 16 : i32
          %mul3A_293 = arith.muli %scan3A_284, %mul3A_292 : i32
          %swap3A = arith.index_cast %add3A_251 : i32 to index
          %swap3A_294 = arith.index_cast %mul3A_293 : i32 to index
          %swap3A_295 = tpu.vector_load %arg18[%swap3A, %swap3A_294] {strides = array<i32>} : memref<80x128xf32, #tpu.memory_space<vmem>>, vector<1x16xf32>,
          %swap3A_296 = vector.shape_cast %swap3A_295 : vector<1x16xf32> to vector<16xf32>
          %swap3A_297 = vector.shape_cast %mul3A_291 : vector<16xf32> to vector<1x16xf32>
          tpu.vector_store %arg18[%swap3A, %swap3A_294], %swap3A_297 {strides = array<i32>} : memref<80x128xf32, #tpu.memory_space<vmem>>, vector<1x16xf32>,
        }
        %scan3A_257 = arith.constant 8 : i32
        %slice3A_258 = vector.extract_strided_slice %get3A_77 {offsets = [14], sizes = [1], strides = [1]} : vector<16xf32> to vector<1xf32>
        %squeeze3A_259 = vector.extract %slice3A_258[0] : f32 from vector<1xf32>
        %broadcast_in_dim3A_260 = vector.broadcast %squeeze3A_259 : f32 to vector<16xf32>
        %mul3A_261 = arith.constant 16 : i32
        %mul3A_262 = arith.muli %scan3A_73, %mul3A_261 : i32
        %add3A_263 = arith.constant 14 : i32
        %add3A_264 = arith.addi %mul3A_262, %add3A_263 : i32
        %scan3A_265 = arith.constant 0 : i32
        %scan3A_266 = arith.constant 0 : i32
        %scan3A_267 = arith.constant 8 : i32
        %scan3A_268 = arith.addi %scan3A_266, %scan3A_267 : i32
        %scan3A_269 = arith.constant 1 : i32
        scf.for %scan3A_284 = %scan3A_266 to %scan3A_268 step %scan3A_269  : i32 {
          %mul3A_285 = arith.constant 16 : i32
          %mul3A_286 = arith.muli %scan3A_284, %mul3A_285 : i32
          %get3A_287 = arith.index_cast %add3A_264 : i32 to index
          %get3A_288 = arith.index_cast %mul3A_286 : i32 to index
          %get3A_289 = tpu.vector_load %arg18[%get3A_287, %get3A_288] {strides = array<i32>} : memref<80x128xf32, #tpu.memory_space<vmem>>, vector<1x16xf32>,
          %get3A_290 = vector.shape_cast %get3A_289 : vector<1x16xf32> to vector<16xf32>
          %mul3A_291 = arith.mulf %get3A_290, %broadcast_in_dim3A_260 : vector<16xf32>
          %mul3A_292 = arith.constant 16 : i32
          %mul3A_293 = arith.muli %scan3A_284, %mul3A_292 : i32
          %swap3A = arith.index_cast %add3A_264 : i32 to index
          %swap3A_294 = arith.index_cast %mul3A_293 : i32 to index
          %swap3A_295 = tpu.vector_load %arg18[%swap3A, %swap3A_294] {strides = array<i32>} : memref<80x128xf32, #tpu.memory_space<vmem>>, vector<1x16xf32>,
          %swap3A_296 = vector.shape_cast %swap3A_295 : vector<1x16xf32> to vector<16xf32>
          %swap3A_297 = vector.shape_cast %mul3A_291 : vector<16xf32> to vector<1x16xf32>
          tpu.vector_store %arg18[%swap3A, %swap3A_294], %swap3A_297 {strides = array<i32>} : memref<80x128xf32, #tpu.memory_space<vmem>>, vector<1x16xf32>,
        }
        %scan3A_270 = arith.constant 8 : i32
        %slice3A_271 = vector.extract_strided_slice %get3A_77 {offsets = [15], sizes = [1], strides = [1]} : vector<16xf32> to vector<1xf32>
        %squeeze3A_272 = vector.extract %slice3A_271[0] : f32 from vector<1xf32>
        %broadcast_in_dim3A_273 = vector.broadcast %squeeze3A_272 : f32 to vector<16xf32>
        %mul3A_274 = arith.constant 16 : i32
        %mul3A_275 = arith.muli %scan3A_73, %mul3A_274 : i32
        %add3A_276 = arith.constant 15 : i32
        %add3A_277 = arith.addi %mul3A_275, %add3A_276 : i32
        %scan3A_278 = arith.constant 0 : i32
        %scan3A_279 = arith.constant 0 : i32
        %scan3A_280 = arith.constant 8 : i32
        %scan3A_281 = arith.addi %scan3A_279, %scan3A_280 : i32
        %scan3A_282 = arith.constant 1 : i32
        scf.for %scan3A_284 = %scan3A_279 to %scan3A_281 step %scan3A_282  : i32 {
          %mul3A_285 = arith.constant 16 : i32
          %mul3A_286 = arith.muli %scan3A_284, %mul3A_285 : i32
          %get3A_287 = arith.index_cast %add3A_277 : i32 to index
          %get3A_288 = arith.index_cast %mul3A_286 : i32 to index
          %get3A_289 = tpu.vector_load %arg18[%get3A_287, %get3A_288] {strides = array<i32>} : memref<80x128xf32, #tpu.memory_space<vmem>>, vector<1x16xf32>,
          %get3A_290 = vector.shape_cast %get3A_289 : vector<1x16xf32> to vector<16xf32>
          %mul3A_291 = arith.mulf %get3A_290, %broadcast_in_dim3A_273 : vector<16xf32>
          %mul3A_292 = arith.constant 16 : i32
          %mul3A_293 = arith.muli %scan3A_284, %mul3A_292 : i32
          %swap3A = arith.index_cast %add3A_277 : i32 to index
          %swap3A_294 = arith.index_cast %mul3A_293 : i32 to index
          %swap3A_295 = tpu.vector_load %arg18[%swap3A, %swap3A_294] {strides = array<i32>} : memref<80x128xf32, #tpu.memory_space<vmem>>, vector<1x16xf32>,
          %swap3A_296 = vector.shape_cast %swap3A_295 : vector<1x16xf32> to vector<16xf32>
          %swap3A_297 = vector.shape_cast %mul3A_291 : vector<16xf32> to vector<1x16xf32>
          tpu.vector_store %arg18[%swap3A, %swap3A_294], %swap3A_297 {strides = array<i32>} : memref<80x128xf32, #tpu.memory_space<vmem>>, vector<1x16xf32>,
        }
        %scan3A_283 = arith.constant 8 : i32
      }
      %scan3A_72 = arith.constant 5 : i32
      "tpu.region"() ({
        %run_scoped3A = tpu.sem_alloc : memref<!tpu.dma_semaphore, #tpu.memory_space<semaphore_mem>>
        %dma_start3A_73 = arith.constant 0 : i32
        %dma_start3A_74 = arith.constant 0 : i32
        %dma_start3A_75 = tpu.memref_slice %arg21[%dma_start3A_73, %dma_start3A_74] : memref<10240x128xf32, #tpu.memory_space<vmem_shared>> -> memref<10240x128xf32, #tpu.memory_space<vmem_shared>>
        tpu.enqueue_indirect_dma source(%arg18 : memref<80x128xf32, #tpu.memory_space<vmem>>) target(%dma_start3A_75 : memref<10240x128xf32, #tpu.memory_space<vmem_shared>>) offsets(%arg15 : memref<80xi32, #tpu.memory_space<vmem>>) semaphore(%run_scoped3A : memref<!tpu.dma_semaphore, #tpu.memory_space<semaphore_mem>>) {add = true}
        %dma_wait3A_76 = arith.constant 0 : i32
        %dma_wait3A_77 = arith.constant 0 : i32
        %dma_wait3A_78 = tpu.memref_slice %arg21[%dma_wait3A_76, %dma_wait3A_77] : memref<10240x128xf32, #tpu.memory_space<vmem_shared>> -> memref<10240x128xf32, #tpu.memory_space<vmem_shared>>
        tpu.wait_indirect_dma semaphore(%run_scoped3A : memref<!tpu.dma_semaphore, #tpu.memory_space<semaphore_mem>>) src(%arg18 : memref<80x128xf32, #tpu.memory_space<vmem>>) dst(%dma_wait3A_78 : memref<10240x128xf32, #tpu.memory_space<vmem_shared>>)
        tpu.yield
      }) : () -> ()
      "tpu.region"() ({
        %run_scoped3A = tpu.sem_alloc : memref<!tpu.dma_semaphore, #tpu.memory_space<semaphore_mem>>
        %dma_start3A_73 = arith.constant 0 : i32
        %dma_start3A_74 = tpu.memref_slice %arg22[%dma_start3A_73] : memref<10240xf32, #tpu.memory_space<vmem_shared>> -> memref<10240xf32, #tpu.memory_space<vmem_shared>>
        tpu.enqueue_indirect_dma source(%arg17 : memref<80xf32, #tpu.memory_space<vmem>>) target(%dma_start3A_74 : memref<10240xf32, #tpu.memory_space<vmem_shared>>) offsets(%arg15 : memref<80xi32, #tpu.memory_space<vmem>>) semaphore(%run_scoped3A : memref<!tpu.dma_semaphore, #tpu.memory_space<semaphore_mem>>) {add = true}
        %dma_wait3A_75 = arith.constant 0 : i32
        %dma_wait3A_76 = tpu.memref_slice %arg22[%dma_wait3A_75] : memref<10240xf32, #tpu.memory_space<vmem_shared>> -> memref<10240xf32, #tpu.memory_space<vmem_shared>>
        tpu.wait_indirect_dma semaphore(%run_scoped3A : memref<!tpu.dma_semaphore, #tpu.memory_space<semaphore_mem>>) src(%arg17 : memref<80xf32, #tpu.memory_space<vmem>>) dst(%dma_wait3A_76 : memref<10240xf32, #tpu.memory_space<vmem_shared>>)
        tpu.yield
      }) : () -> ()
    }
    %scan3A_26 = arith.constant 125 : i32
    %barrier3A_27 = arith.constant 0 : index
    tpu.barrier barrier_id(%barrier3A_27)
    %mul3A_28 = arith.constant 640 : i32
    %mul3A_29 = arith.muli %arg1, %mul3A_28 : i32
    %mul3A_30 = arith.constant 640 : i32
    %mul3A_31 = arith.muli %arg1, %mul3A_30 : i32
    "tpu.region"() ({
      %run_scoped3A = tpu.sem_alloc : memref<!tpu.dma_semaphore, #tpu.memory_space<semaphore_mem>>
      %dma_start3A = arith.constant 0 : i32
      %dma_start3A_39 = tpu.memref_slice %arg9[%arg0, %mul3A_31, %dma_start3A] : memref<2x10240x128xf32, #tpu.memory_space<hbm>> -> memref<1x640x128xf32, #tpu.memory_space<hbm>>
      %dma_start3A_40 = tpu.memref_squeeze %dma_start3A_39 : memref<1x640x128xf32, #tpu.memory_space<hbm>> -> memref<640x128xf32, #tpu.memory_space<hbm>>
      %dma_start3A_41 = arith.constant 0 : i32
      %dma_start3A_42 = tpu.memref_slice %arg21[%mul3A_29, %dma_start3A_41] : memref<10240x128xf32, #tpu.memory_space<vmem_shared>> -> memref<640x128xf32, #tpu.memory_space<vmem_shared>>
      tpu.enqueue_dma source(%dma_start3A_42 : memref<640x128xf32, #tpu.memory_space<vmem_shared>>) target(%dma_start3A_40 : memref<640x128xf32, #tpu.memory_space<hbm>>) target_semaphore(%run_scoped3A : memref<!tpu.dma_semaphore, #tpu.memory_space<semaphore_mem>>)
      %dma_wait3A = arith.constant 0 : i32
      %dma_wait3A_43 = tpu.memref_slice %arg9[%arg0, %mul3A_31, %dma_wait3A] : memref<2x10240x128xf32, #tpu.memory_space<hbm>> -> memref<1x640x128xf32, #tpu.memory_space<hbm>>
      %dma_wait3A_44 = tpu.memref_squeeze %dma_wait3A_43 : memref<1x640x128xf32, #tpu.memory_space<hbm>> -> memref<640x128xf32, #tpu.memory_space<hbm>>
      %dma_wait3A_45 = arith.constant 0 : i32
      %dma_wait3A_46 = tpu.memref_slice %arg21[%mul3A_29, %dma_wait3A_45] : memref<10240x128xf32, #tpu.memory_space<vmem_shared>> -> memref<640x128xf32, #tpu.memory_space<vmem_shared>>
      tpu.wait_dma2 semaphore(%run_scoped3A : memref<!tpu.dma_semaphore, #tpu.memory_space<semaphore_mem>>) src(%dma_wait3A_46 : memref<640x128xf32, #tpu.memory_space<vmem_shared>>) dst(%dma_wait3A_44 : memref<640x128xf32, #tpu.memory_space<hbm>>)
      tpu.yield
    }) : () -> ()
    %mul3A_32 = arith.constant 640 : i32
    %mul3A_33 = arith.muli %arg1, %mul3A_32 : i32
    %mul3A_34 = arith.constant 10240 : i32
    %mul3A_35 = arith.muli %arg0, %mul3A_34 : i32
    %mul3A_36 = arith.constant 640 : i32
    %mul3A_37 = arith.muli %arg1, %mul3A_36 : i32
    %add3A_38 = arith.addi %mul3A_35, %mul3A_37 : i32
    "tpu.region"() ({
      %run_scoped3A = tpu.sem_alloc : memref<!tpu.dma_semaphore, #tpu.memory_space<semaphore_mem>>
      %dma_start3A = tpu.memref_slice %arg10[%add3A_38] : memref<20480xf32, #tpu.memory_space<hbm>> -> memref<640xf32, #tpu.memory_space<hbm>>
      %dma_start3A_39 = tpu.memref_slice %arg22[%mul3A_33] : memref<10240xf32, #tpu.memory_space<vmem_shared>> -> memref<640xf32, #tpu.memory_space<vmem_shared>>
      tpu.enqueue_dma source(%dma_start3A_39 : memref<640xf32, #tpu.memory_space<vmem_shared>>) target(%dma_start3A : memref<640xf32, #tpu.memory_space<hbm>>) target_semaphore(%run_scoped3A : memref<!tpu.dma_semaphore, #tpu.memory_space<semaphore_mem>>)
      %dma_wait3A = tpu.memref_slice %arg10[%add3A_38] : memref<20480xf32, #tpu.memory_space<hbm>> -> memref<640xf32, #tpu.memory_space<hbm>>
      %dma_wait3A_40 = tpu.memref_slice %arg22[%mul3A_33] : memref<10240xf32, #tpu.memory_space<vmem_shared>> -> memref<640xf32, #tpu.memory_space<vmem_shared>>
      tpu.wait_dma2 semaphore(%run_scoped3A : memref<!tpu.dma_semaphore, #tpu.memory_space<semaphore_mem>>) src(%dma_wait3A_40 : memref<640xf32, #tpu.memory_space<vmem_shared>>) dst(%dma_wait3A : memref<640xf32, #tpu.memory_space<hbm>>)
      tpu.yield
    }) : () -> ()
    return
  }
}

module attributes {stable_mosaic.version = 14 : i64} {
  func.func @_pre_body(%arg0: memref<10000x128xf32, #tpu.memory_space<vmem>>, %arg1: memref<128x128xf32, #tpu.memory_space<vmem>>, %arg2: memref<128x128xf32, #tpu.memory_space<vmem>>, %arg3: memref<384x1xf32, #tpu.memory_space<vmem>>, %arg4: memref<16x128xf32, #tpu.memory_space<vmem>>, %arg5: memref<10000x128xf32, #tpu.memory_space<vmem>>, %arg6: memref<10000x2xf32, #tpu.memory_space<vmem>>, %arg7: memref<16x1xf32, #tpu.memory_space<vmem>>) attributes {dimension_semantics = [], scalar_prefetch = 0 : i64, scratch_operands = 0 : i64, tpu.core_type = #tpu.core_type<tc>} {
    %get3A = arith.constant 0 : index
    %get3A_0 = arith.constant 0 : index
    %get3A_1 = vector.load %arg0[%get3A, %get3A_0] : memref<10000x128xf32, #tpu.memory_space<vmem>>, vector<10000x128xf32>
    %get3A_2 = arith.constant 0 : index
    %get3A_3 = arith.constant 0 : index
    %get3A_4 = vector.load %arg1[%get3A_2, %get3A_3] : memref<128x128xf32, #tpu.memory_space<vmem>>, vector<128x128xf32>
    %dot_general3A = arith.constant dense<0.000000e+00> : vector<10000x128xf32>
    %dot_general3A_5 = tpu.matmul %get3A_1, %get3A_4, %dot_general3A {dimension_numbers = #tpu.dot_dimension_numbers<[1], [0], [0], [1], [0, 0, 1, 1], [], []>, transpose_lhs_hint = false} : vector<10000x128xf32>, vector<128x128xf32>, vector<10000x128xf32> -> vector<10000x128xf32>
    %swap3A = arith.constant 0 : index
    %swap3A_6 = arith.constant 0 : index
    %swap3A_7 = vector.load %arg5[%swap3A, %swap3A_6] : memref<10000x128xf32, #tpu.memory_space<vmem>>, vector<10000x128xf32>
    tpu.vector_store %arg5[%swap3A, %swap3A_6], %dot_general3A_5 {strides = array<i32>} : memref<10000x128xf32, #tpu.memory_space<vmem>>, vector<10000x128xf32>,
    %get3A_8 = arith.constant 0 : index
    %get3A_9 = arith.constant 0 : index
    %get3A_10 = vector.load %arg3[%get3A_8, %get3A_9] : memref<384x1xf32, #tpu.memory_space<vmem>>, vector<384x1xf32>
    %slice3A = vector.extract_strided_slice %get3A_10 {offsets = [0, 0], sizes = [128, 1], strides = [1, 1]} : vector<384x1xf32> to vector<128x1xf32>
    %slice3A_11 = vector.extract_strided_slice %get3A_10 {offsets = [256, 0], sizes = [128, 1], strides = [1, 1]} : vector<384x1xf32> to vector<128x1xf32>
    %concatenate3A = tpu.concatenate %slice3A, %slice3A_11 in 1 : vector<128x1xf32>, vector<128x1xf32> -> vector<128x2xf32>
    %dot_general3A_12 = arith.constant dense<0.000000e+00> : vector<10000x2xf32>
    %dot_general3A_13 = tpu.matmul %dot_general3A_5, %concatenate3A, %dot_general3A_12 {dimension_numbers = #tpu.dot_dimension_numbers<[1], [0], [0], [1], [0, 0, 1, 1], [], []>, transpose_lhs_hint = false} : vector<10000x128xf32>, vector<128x2xf32>, vector<10000x2xf32> -> vector<10000x2xf32>
    %swap3A_14 = arith.constant 0 : index
    %swap3A_15 = arith.constant 0 : index
    %swap3A_16 = vector.load %arg6[%swap3A_14, %swap3A_15] : memref<10000x2xf32, #tpu.memory_space<vmem>>, vector<10000x2xf32>
    tpu.vector_store %arg6[%swap3A_14, %swap3A_15], %dot_general3A_13 {strides = array<i32>} : memref<10000x2xf32, #tpu.memory_space<vmem>>, vector<10000x2xf32>,
    %get3A_17 = arith.constant 0 : index
    %get3A_18 = arith.constant 0 : index
    %get3A_19 = vector.load %arg4[%get3A_17, %get3A_18] : memref<16x128xf32, #tpu.memory_space<vmem>>, vector<16x128xf32>
    %get3A_20 = arith.constant 0 : index
    %get3A_21 = arith.constant 0 : index
    %get3A_22 = vector.load %arg2[%get3A_20, %get3A_21] : memref<128x128xf32, #tpu.memory_space<vmem>>, vector<128x128xf32>
    %dot_general3A_23 = arith.constant dense<0.000000e+00> : vector<16x128xf32>
    %dot_general3A_24 = tpu.matmul %get3A_19, %get3A_22, %dot_general3A_23 {dimension_numbers = #tpu.dot_dimension_numbers<[1], [0], [0], [1], [0, 0, 1, 1], [], []>, transpose_lhs_hint = false} : vector<16x128xf32>, vector<128x128xf32>, vector<16x128xf32> -> vector<16x128xf32>
    %slice3A_25 = vector.extract_strided_slice %get3A_10 {offsets = [128, 0], sizes = [128, 1], strides = [1, 1]} : vector<384x1xf32> to vector<128x1xf32>
    %dot_general3A_26 = arith.constant dense<0.000000e+00> : vector<16x1xf32>
    %dot_general3A_27 = tpu.matmul %dot_general3A_24, %slice3A_25, %dot_general3A_26 {dimension_numbers = #tpu.dot_dimension_numbers<[1], [0], [0], [1], [0, 0, 1, 1], [], []>, transpose_lhs_hint = false} : vector<16x128xf32>, vector<128x1xf32>, vector<16x1xf32> -> vector<16x1xf32>
    %swap3A_28 = arith.constant 0 : index
    %swap3A_29 = arith.constant 0 : index
    %swap3A_30 = vector.load %arg7[%swap3A_28, %swap3A_29] : memref<16x1xf32, #tpu.memory_space<vmem>>, vector<16x1xf32>
    tpu.vector_store %arg7[%swap3A_28, %swap3A_29], %dot_general3A_27 {strides = array<i32>} : memref<16x1xf32, #tpu.memory_space<vmem>>, vector<16x1xf32>,
    return
  }
}

module attributes {stable_mosaic.version = 14 : i64} {
  func.func @_post_body(%arg0: memref<2x10240x128xf32, #tpu.memory_space<vmem>>, %arg1: memref<20480xf32, #tpu.memory_space<vmem>>, %arg2: memref<10000x128xf32, #tpu.memory_space<vmem>>, %arg3: memref<10000x128xf32, #tpu.memory_space<vmem>>) attributes {dimension_semantics = [], scalar_prefetch = 0 : i64, scratch_operands = 0 : i64, tpu.core_type = #tpu.core_type<tc>} {
    %get3A = arith.constant 0 : index
    %get3A_0 = arith.constant 0 : index
    %get3A_1 = arith.constant 0 : index
    %get3A_2 = vector.load %arg0[%get3A, %get3A_0, %get3A_1] : memref<2x10240x128xf32, #tpu.memory_space<vmem>>, vector<1x10000x128xf32>
    %get3A_3 = vector.shape_cast %get3A_2 : vector<1x10000x128xf32> to vector<10000x128xf32>
    %get3A_4 = arith.constant 1 : index
    %get3A_5 = arith.constant 0 : index
    %get3A_6 = arith.constant 0 : index
    %get3A_7 = vector.load %arg0[%get3A_4, %get3A_5, %get3A_6] : memref<2x10240x128xf32, #tpu.memory_space<vmem>>, vector<1x10000x128xf32>
    %get3A_8 = vector.shape_cast %get3A_7 : vector<1x10000x128xf32> to vector<10000x128xf32>
    %add3A = arith.addf %get3A_3, %get3A_8 : vector<10000x128xf32>
    %get3A_9 = arith.constant 0 : index
    %get3A_10 = vector.load %arg1[%get3A_9] : memref<20480xf32, #tpu.memory_space<vmem>>, vector<10240xf32>
    %get3A_11 = arith.constant 10240 : index
    %get3A_12 = vector.load %arg1[%get3A_11] : memref<20480xf32, #tpu.memory_space<vmem>>, vector<10240xf32>
    %add3A_13 = arith.addf %get3A_10, %get3A_12 : vector<10240xf32>
    %slice3A = vector.extract_strided_slice %add3A_13 {offsets = [0], sizes = [10000], strides = [1]} : vector<10240xf32> to vector<10000xf32>
    %broadcast_in_dim3A = vector.shape_cast %slice3A : vector<10000xf32> to vector<10000x1xf32>
    %add3A_14 = arith.constant 1.000000e-10 : f32
    %add3A_15 = vector.broadcast %add3A_14 : f32 to vector<10000x1xf32>
    %add3A_16 = arith.addf %broadcast_in_dim3A, %add3A_15 : vector<10000x1xf32>
    %div3A = vector.broadcast %add3A_16 : vector<10000x1xf32> to vector<10000x128xf32>
    %div3A_17 = arith.divf %add3A, %div3A : vector<10000x128xf32>
    %gt3A = arith.constant 0.000000e+00 : f32
    %gt3A_18 = vector.broadcast %gt3A : f32 to vector<10000x128xf32>
    %gt3A_19 = arith.cmpf ogt, %div3A_17, %gt3A_18 : vector<10000x128xf32>
    %exp3A = math.exp %div3A_17 : vector<10000x128xf32>
    %sub3A = arith.constant 1.000000e+00 : f32
    %sub3A_20 = vector.broadcast %sub3A : f32 to vector<10000x128xf32>
    %sub3A_21 = arith.subf %exp3A, %sub3A_20 : vector<10000x128xf32>
    %select_n3A = arith.select %gt3A_19, %div3A_17, %sub3A_21 : vector<10000x128xi1>, vector<10000x128xf32>
    %mul3A = arith.mulf %select_n3A, %select_n3A : vector<10000x128xf32>
    %reduce_sum3A = arith.constant dense<0.000000e+00> : vector<10000xf32>
    %reduce_sum3A_22 = vector.multi_reduction <add>, %mul3A, %reduce_sum3A [1] : vector<10000x128xf32> to vector<10000xf32>
    %broadcast_in_dim3A_23 = vector.shape_cast %reduce_sum3A_22 : vector<10000xf32> to vector<10000x1xf32>
    %sqrt3A = math.sqrt %broadcast_in_dim3A_23 : vector<10000x1xf32>
    %max3A = arith.constant 9.99999996E-13 : f32
    %max3A_24 = vector.broadcast %max3A : f32 to vector<10000x1xf32>
    %max3A_25 = arith.maximumf %sqrt3A, %max3A_24 : vector<10000x1xf32>
    %div3A_26 = vector.broadcast %max3A_25 : vector<10000x1xf32> to vector<10000x128xf32>
    %div3A_27 = arith.divf %select_n3A, %div3A_26 : vector<10000x128xf32>
    %get3A_28 = arith.constant 0 : index
    %get3A_29 = arith.constant 0 : index
    %get3A_30 = vector.load %arg2[%get3A_28, %get3A_29] : memref<10000x128xf32, #tpu.memory_space<vmem>>, vector<10000x128xf32>
    %add3A_31 = arith.addf %get3A_30, %div3A_27 : vector<10000x128xf32>
    %mul3A_32 = arith.constant 5.000000e-01 : f32
    %mul3A_33 = vector.broadcast %mul3A_32 : f32 to vector<10000x128xf32>
    %mul3A_34 = arith.mulf %add3A_31, %mul3A_33 : vector<10000x128xf32>
    %swap3A = arith.constant 0 : index
    %swap3A_35 = arith.constant 0 : index
    %swap3A_36 = vector.load %arg3[%swap3A, %swap3A_35] : memref<10000x128xf32, #tpu.memory_space<vmem>>, vector<10000x128xf32>
    tpu.vector_store %arg3[%swap3A, %swap3A_35], %mul3A_34 {strides = array<i32>} : memref<10000x128xf32, #tpu.memory_space<vmem>>, vector<10000x128xf32>,
    return
  }
}

</mosaic_0001>

<sc_bundles>
// kernel: kernel.5.cloned.1.call-start
scs
__scs_entry_jumppad:
0x0: {  	(pc) =	sbr.rel $0x88, $3  }
0x1: {  	(tag) =	ssettag $0x0;
	lr =	simm.s32 $0x1  }
0x2: {  	[smem:$0x3F9A] =	sst lr;
	_ =	strace $0xD0000000  }
0x3: {  	_ = 	snop  }
0x4: {  	_ = 	snop  }
0x5: {  	_ = 	snop  }
0x6: {  	_ = 	snop  }
0x7: {  	_ = 	snop  }
__scs_overlays_trampoline_lowered:
0x8: {  	[smem:$0x3FA9] =	sst s0  }
0x9: {  	[smem:$0x3FAA] =	sst s1  }
0xa: {  	[smem:$0x3FAB] =	sst s2  }
0xb: {  	[smem:$0x3FAC] =	sst s3  }
0xc: {  	[smem:$0x3FAD] =	sst s4  }
0xd: {  	[smem:$0x3FAE] =	sst s5  }
0xe: {  	[smem:$0x3FAF] =	sst s6  }
0xf: {  	[smem:$0x3FB0] =	sst s7  }
0x10: {  	[smem:$0x3FB1] =	sst s8  }
0x11: {  	[smem:$0x3FB2] =	sst s9;
	s0 =	simm.s32 @!p0 $0x0  }
0x12: {  	s1 =	sld [smem:$0x3F98];
	s0 =	simm.s32 @p0 $0x1  }
0x13: {  	[smem:$0x3FB3] =	sst s0;
	s0 =	simm.s32 @!p1 $0x0  }
0x14: {  	s2 =	sld [smem:$0x3F97];
	s0 =	simm.s32 @p1 $0x1  }
0x15: {  	[smem:$0x3FB4] =	sst s0;
	s0 =	simm.s32 @!p2 $0x0  }
0x16: {  	s3 =	sld [smem:$0x3FDB];
	s0 =	simm.s32 @p2 $0x1  }
0x17: {  	s4 =	simm.s32 $0x1BF5;
	[smem:$0x3FB6] =	sst s0  }
0x18: {  	s0 =	sld [smem:$0x3F99];
	_ =	swait.ge [sflag:s4], $0x0  }
0x19: {  	s7 =	sld [smem:$0x3F9A]  }
0x1a: {  	s8 =	sadd.s32 $0xFFFFE003, lr  }
0x1b: {  	s9 =	sadd.s32 $0xFFFFFEF7, lr;
	s5 =	simm.s32 $0xFFFFFFFF;
	p2 =	slt.u32 s8, $0xFFFFF086  }
0x1c: {  	p1 =	slt.u32 s9, $0xF7A;
	s5 =	simm.s32 @!p2 $0x0  }
0x1d: {  	s5 =	simm.s32 @p1 $0x1;
	p0 =	seq.s32 s7, s2  }
0x1e: {  	s7 =	smul.u32 @!p0 $0xF7A, s2;
	p2 =	seq.s32 @!p0 s5, $0x0  }
0x1f: {  	s9 =	smul.u32 $0xF7A, s1;
	s8 =	simm.s32 @!p0 $0x1BF5;
	p2 =	por !p2, p0  }
0x20: {  	[sflag:s8] =	ssyncset.s32 @!p0 $0xFFFFF086;
	s6 =	sadd.s32 @!p0 s3, s7;
	s7 =	simm.s32 @!p0 $0x108  }
0x21: {  	s3 =	sadd.s32 s3, s9;
	s6 =	sadd.s32 @!p0 $0x88, s6;
	s7 =	simm.s32 @p2 $0x1082  }
0x22: {  	[simem:s7], [sflag:s8] =	dma.local @!p0 [hbm:s6], $0xF7A  }
0x23: {  	s9 =	sor.u32 $0xD0000000, s2;
	s6 =	simm.s32 $0x108;
	_ =	swait.ge @!p0 [sflag:s8], $0x0  }
0x24: {  	s3 =	sadd.s32 $0x88, s3;
	s6 =	simm.s32 @!p1 $0x1082;
	[sflag:s4] =	ssyncset.s32 $0xFFFFF086  }
0x25: {  	[simem:s6], [sflag:s4] =	dma.local [hbm:s3], $0xF7A  }
0x26: {  	[smem:$0x3F9A] =	sst s1;
	(tag) =	ssettag s2;
	_ =	strace s9  }
0x27: {  	s1 =	sld [smem:$0x3FAA]  }
0x28: {  	s2 =	sld [smem:$0x3FAB]  }
0x29: {  	s4 =	sld [smem:$0x3FAD]  }
0x2a: {  	p0 =	seq.s32 s5, $0x0;
	s5 =	sld [smem:$0x3FAE]  }
0x2b: {  	s6 =	sld [smem:$0x3FAF]  }
0x2c: {  	s7 =	sld [smem:$0x3FB0]  }
0x2d: {  	s3 =	simm.s32 $0x108;
	s8 =	sld [smem:$0x3FB1]  }
0x2e: {  	s3 =	simm.s32 @!p0 $0x1082;
	s9 =	sld [smem:$0x3FB2]  }
0x2f: {  	lr =	sadd.s32 s0, s3;
	s0 =	sld [smem:$0x3FA9]  }
0x30: {  	s3 =	sld [smem:$0x3FAC]  }
0x31: {  	[smem:$0x3FB5] =	sst s10  }
0x32: {  	s10 =	sld [smem:$0x3FB3];
	_ =	sdelay $0x3  }
0x33: {  	p0 =	seq.s32 s10, $0x1;
	s10 =	sld [smem:$0x3FB5];
	_ =	sdelay $0x3  }
0x34: {  	[smem:$0x3FB5] =	sst s10  }
0x35: {  	s10 =	sld [smem:$0x3FB4];
	_ =	sdelay $0x3  }
0x36: {  	p1 =	seq.s32 s10, $0x1;
	s10 =	sld [smem:$0x3FB5];
	_ =	sdelay $0x3  }
0x37: {  	[smem:$0x3FB5] =	sst s10  }
0x38: {  	s10 =	sld [smem:$0x3FB6]  }
0x39: {  	_ = 	snop;
	(pc) =	sbr.ind lr, $3  }
0x3a: {  	_ = 	snop  }
0x3b: {  	_ = 	snop  }
0x3c: {  	p2 =	seq.s32 s10, $0x1;
	s10 =	sld [smem:$0x3FB5]  }
0x3d: {  	_ =	shalt  }
0x3e: {  	_ =	shalt  }
0x3f: {  	_ =	shalt  }
0x40: {  	_ =	shalt  }
0x41: {  	_ =	shalt  }
0x42: {  	_ =	shalt  }
0x43: {  	_ =	shalt  }
0x44: {  	_ =	shalt  }
0x45: {  	_ =	shalt  }
0x46: {  	_ =	shalt  }
0x47: {  	_ =	shalt  }
0x48: {  	_ =	shalt  }
0x49: {  	_ =	shalt  }
0x4a: {  	_ =	shalt  }
0x4b: {  	_ =	shalt  }
0x4c: {  	_ =	shalt  }
0x4d: {  	_ =	shalt  }
0x4e: {  	_ =	shalt  }
0x4f: {  	_ =	shalt  }
0x50: {  	_ =	shalt  }
0x51: {  	_ =	shalt  }
0x52: {  	_ =	shalt  }
0x53: {  	_ =	shalt  }
0x54: {  	_ =	shalt  }
0x55: {  	_ =	shalt  }
0x56: {  	_ =	shalt  }
0x57: {  	_ =	shalt  }
0x58: {  	_ =	shalt  }
0x59: {  	_ =	shalt  }
0x5a: {  	_ =	shalt  }
0x5b: {  	_ =	shalt  }
0x5c: {  	_ =	shalt  }
0x5d: {  	_ =	shalt  }
0x5e: {  	_ =	shalt  }
0x5f: {  	_ =	shalt  }
0x60: {  	_ =	shalt  }
0x61: {  	_ =	shalt  }
0x62: {  	_ =	shalt  }
0x63: {  	_ =	shalt  }
0x64: {  	_ =	shalt  }
0x65: {  	_ =	shalt  }
0x66: {  	_ =	shalt  }
0x67: {  	_ =	shalt  }
0x68: {  	_ =	shalt  }
0x69: {  	_ =	shalt  }
0x6a: {  	_ =	shalt  }
0x6b: {  	_ =	shalt  }
0x6c: {  	_ =	shalt  }
0x6d: {  	_ =	shalt  }
0x6e: {  	_ =	shalt  }
0x6f: {  	_ =	shalt  }
0x70: {  	_ =	shalt  }
0x71: {  	_ =	shalt  }
0x72: {  	_ =	shalt  }
0x73: {  	_ =	shalt  }
0x74: {  	_ =	shalt  }
0x75: {  	_ =	shalt  }
0x76: {  	_ =	shalt  }
0x77: {  	_ =	shalt  }
0x78: {  	_ =	shalt  }
0x79: {  	_ =	shalt  }
0x7a: {  	_ =	shalt  }
0x7b: {  	_ =	shalt  }
0x7c: {  	_ =	shalt  }
0x7d: {  	_ =	shalt  }
0x7e: {  	_ =	shalt  }
0x7f: {  	_ =	shalt  }
0x80: {  	_ =	shalt  }
0x81: {  	_ =	shalt  }
0x82: {  	_ =	shalt  }
0x83: {  	_ =	shalt  }
0x84: {  	_ =	shalt  }
0x85: {  	_ =	shalt  }
0x86: {  	_ =	shalt  }
0x87: {  	_ =	shalt  }
.Lfunc_end0:
.L_simem_size_0:
called_computation_lowered:
.L_overlay_start_0:
0x88: {  	s2 =	sld [smem:$0x3FD9]  }
0x89: {  	s3 =	sld [smem:$0x3FFE];
	_ =	sdelay $0x1  }
0x8a: {  	s1 =	srdreg.scid  }
0x8b: {  	s0 =	sand.u32 $0x1, s1  }
0x8c: {  	s14 =	sshll.u32 s0, $0xA;
	s2 =	sadd.s32 s3, s2  }
0x8d: {  	s2 =	sadd.s32 s2, s14  }
0x8e: {  	[smem:$0x3FC1] =	sst s2  }
0x8f: {  	_ = 	snop  }
0x90: {  	s2 =	sld [smem:$0x3FD0];
	_ =	sdelay $0x2  }
0x91: {  	s4 =	simm.s32 $0xA;
	s5 =	simm.s32 $0x10;
	s15 =	sld [smem:$0x3FC3]  }
0x92: {  	[smem:s5], [sflag:s4] =	dma.local [hbm:s2], $0x1  }
0x93: {  	_ =	swait.eq [sflag:s4], $0x1  }
0x94: {  	[sflag:s4] =	ssyncset.done $0x0  }
0x95: {  	s16 =	sld [smem:$0x10];
	[sflag:s4] =	ssyncadd.s32 $0xFFFFFFFF  }
0x96: {  	s17 =	sld [smem:$0x11];
	(tm) =	ssettm $0x1  }
0x97: {  	s18 =	sld [smem:$0x3FFB];
	_ =	sdelay $0x3  }
0x98: {  	_ =	strace s18  }
0x99: {  	s5 =	sld [smem:$0x3FFC];
	_ =	sdelay $0x3  }
0x9a: {  	_ =	strace s5  }
0x9b: {  	s5 =	sld [smem:$0x3FFD];
	_ =	sdelay $0x3  }
0x9c: {  	_ =	strace s5  }
0x9d: {  	_ =	strace $0x8FFFFFFF  }
0x9e: {  	s19 =	sld [smem:$0x3FDB];
	_ =	sdelay $0x1  }
0x9f: {  	s6 =	simm.s32 $_scs_section_size  }
0xa0: {  	s7 =	simm.s32 $_size__tile_overlayer_lowered;
	s8 =	simm.s32 $_tile_overlayer_lowered  }
0xa1: {  	s22 =	simm.s32 $0x1BFF;
	s21 =	sshll.u32 s8, $0x1;
	s5 =	sadd.s32 s6, s19  }
0xa2: {  	s9 =	simm.s32 $0x0;
	s20 =	sshll.u32 s7, $0x1;
	s7 =	sadd.s32 s21, s5  }
0xa3: {  	[timem:s9], [sflag:s22] =	dma.local [hbm:s7], s20  }
0xa4: {  	_ =	swait.ge [sflag:s22], s20  }
0xa5: {  	s6 =	ssub.s32 $0x0, s20;
	[sflag:s22] =	ssyncset.done $0x0  }
0xa6: {  	[sflag:s22] =	ssyncadd.s32 s6;
	_ =	sdelay $0x1  }
0xa7: {  	s23 =	simm.s32 $0x1B8B  }
0xa8: {  	_ =	swait.ge [sflag:s23], $0x1  }
0xa9: {  	[sflag:s23] =	ssyncset.done $0x0  }
0xaa: {  	s25 =	simm.s32 $0x1B8E;
	s24 =	sld [smem:$0x3FFE];
	[sflag:s23] =	ssyncadd.s32 $0xFFFFFFFF  }
0xab: {  	s26 =	simm.s32 $execute0_lowered;
	[smem:$0x3FD2] =	sst s25  }
0xac: {  	s7 =	sshll.u32 s26, $0x1;
	_ =	strace $0x80000046;
	[dreg:$0x1] =	wrdreg $0xFFFFFFFF  }
0xad: {  	s28 =	simm.s32 $_size_execute0_lowered;
	s5 =	sadd.s32 s5, s7;
	[dreg:$0x0] =	wrdreg $0x0  }
0xae: {  	s7 =	sshll.u32 s28, $0x1;
	[dreg:$0x2] =	wrdreg s5  }
0xaf: {  	[dreg:$0x3] =	wrdreg s7  }
0xb0: {  	[dreg:$0x4] =	wrdreg $0xC0  }
0xb1: {  	_ =	task [dreg:s9], $0x5FFFF  }
0xb2: {  	[dreg:$0x1] =	wrdreg $0xFFFFFFFF  }
0xb3: {  	[dreg:$0x0] =	wrdreg $0x60  }
0xb4: {  	[dreg:$0x2] =	wrdreg s24  }
0xb5: {  	[dreg:$0x3] =	wrdreg s17  }
0xb6: {  	[dreg:$0x4] =	wrdreg s15  }
0xb7: {  	[dreg:$0x5] =	wrdreg s16  }
0xb8: {  	[dreg:$0x6] =	wrdreg $0x7E000  }
0xb9: {  	[dreg:$0x7] =	wrdreg $0x1BE000  }
0xba: {  	[dreg:$0x8] =	wrdreg $0x9  }
0xbb: {  	_ =	task.clear_ibuf [dreg:s9], $0x9FFFF;
	_ =	strace $0x90000046  }
0xbc: {  	s29 =	simm.s32 $0x9;
	_ =	strace $0x80000048  }
0xbd: {  	_ =	swait.ge [sflag:s29], $0x1  }
0xbe: {  	[sflag:s29] =	ssyncadd.s32 $0xFFFFFFFF  }
0xbf: {  	_ =	strace $0x90000048  }
0xc0: {  	_ =	sfence  }
0xc1: {  	s30 =	sld [smem:$0x0];
	_ =	sdelay $0x2  }
0xc2: {  	s31 =	sshll.u32 s1, $0xD;
	s1 =	sshrl.u32 s1, $0x2  }
0xc3: {  	s3 =	sand.u32 $0x4000, s31;
	s1 =	sadd.s32 s1, s30  }
0xc4: {  	s0 =	sor.u32 s3, s0;
	s1 =	sshll.u32 s1, $0x11  }
0xc5: {  	s0 =	sor.u32 s1, s0  }
0xc6: {  	s0 =	sadd.s32 $0x8F2B, s0  }
0xc7: {  	[sflag:s0] =	ssyncadd.remote.s32 $0x1  }
0xc8: {  	_ =	sfence.sel $0xFFFF  }
0xc9: {  	[dreg:$0x0] =	wrdreg $0xFFFFFFFF;
	(pc) =	sbr.abs _section_cstart, $3  }
0xca: {  	[dreg:$0x1] =	wrdreg $0xFFFFFFFF  }
0xcb: {  	_ =	task.clear_ibuf [dreg:s9], $0x2FFFF;
	_ =	strace $0x9FFFFFFF  }
0xcc: {  	(tm) =	ssettm $0x7FFFFFFF  }
0xcd: {  	_ =	shalt  }
tec
execute0_lowered:
.L_overlay_start_1:
0x0: {  	(tag) =	ssettag $0x1  }
0x1: {  	s0 =	rddreg [dreg:$0x0]  }
0x2: {  	s2 =	rddreg [dreg:$0x1]  }
0x3: {  	s3 =	rddreg [dreg:$0x2]  }
0x4: {  	s1 =	rddreg [dreg:$0x3]  }
0x5: {  	s4 =	rddreg [dreg:$0x4]  }
0x6: {  	s5 =	rddreg [dreg:$0x5];
	s6 =	srdreg.scid;
	s8 =	simm.s32 $0x0  }
0x7: {  	s18 =	stileid.u32;
	s21 =	simm.s32 $0x2B80;
	s22 =	simm.s32 $0x2  }
0x8: {  	s24 =	simm.s32 $0x180;
	s28 =	simm.s32 $0x50;
	s29 =	simm.s32 $0x80  }
0x9: {  	s30 =	simm.s32 $0x100;
	s31 =	simm.s32 $0x380;
	s11 =	smul.u32 $0x14000, s18  }
0xa: {  	s23 =	simm.s32 $0x300;
	s6 =	sand.u32 $0x1, s6;
	s14 =	smul.u32 $0x280, s18  }
0xb: {  	[smem:$0x7FF] =	sst s8;
	s8 =	sadd.s32 $0x9E00, s0;
	s15 =	smul.u32 $0x50000, s18  }
0xc: {  	s9 =	sadd.s32 $0x31600, s0;
	s10 =	sadd.s32 $0x31000, s0;
	s7 =	smul.u32 $0x140000, s6  }
0xd: {  	_ =	strace $0x80000047;
	s12 =	ssub.s32 $0x2, s6;
	s16 =	sshll.u32 s6, $0x4  }
0xe: {  	s6 =	smul.u32 $0x2800, s6;
	s13 =	sshrl.u32 s12, $0x1;
	s25 =	sor.u32 s18, s16  }
0xf: {  	s15 =	sshrl.u32 s15, $0x2;
	s7 =	sadd.s32 s11, s7;
	s11 =	sadd.s32 $0x31C00, s0  }
0x10: {  	s17 =	ssub.s32 s12, s13;
	s12 =	sadd.s32 s14, s5;
	s13 =	smul.u32 $0x2710, s25  }
0x11: {  	s6 =	sadd.s32 s14, s6;
	s15 =	sadd.s32 s15, s4;
	s25 =	simm.s32 $0x200  }
0x12: {  	s7 =	sshrl.u32 s7, $0x3;
	s6 =	sshrl.u32 s6, $0x3;
	s26 =	smax.u32 s17, $0x1  }
0x13: {  	s18 =	sadd.s32 $0x5000, s15;
	s19 =	sadd.s32 $0xA000, s15;
	s20 =	sadd.s32 $0xF000, s15  }
0x14: {  	s7 =	sadd.s32 s7, s0;
	s1 =	sadd.s32 s1, s6;
	[dreg:$0x9] =	wrdreg s26  }
0x15: {  	s26 =	simm.s32 $0x280;
	s7 =	sadd.s32 $0x31E00, s7;
	[dreg:$0x8] =	wrdreg s1  }
0x16: {  	v0 =	vimm.f32 $0.0e+00;
	s6 =	simm.s32 $0x0;
	s1 =	simm.s32 $0x1;
	[dreg:$0x7] =	wrdreg s7  }
.LBB2_1:
0x17: {  	s14 =	simm.s32 $0x0  }
0x18: {  	s7 =	sand.u32 $0x1FE00, s14  }
0x19: {  	s14 =	sand.u32 $0x70, s14;
	s16 =	sshrl.u32 s7, $0x2  }
0x1a: {  	s7 =	simm.s32 $0x40;
	s16 =	sor.u32 s14, s16;
	s14 =	simm.s32 $0x0  }
.LBB2_2:
0x1b: {  	p0 =	sne.s32 s7, $0x13FC0  }
0x1c: {  	[tilespmem:s16+$0x2B80] =	vst v0;
	s14 =	sadd.s32 $0x10, s14;
	s16 =	smov.u32 s7;
	s7 =	sadd.s32 $0x40, s7  }
.Ltmp0:
0x1d: {  	(pc) =	sbr.rel @p0 .LBB2_2-.Ltmp0, $4  }
0x1e: {  	_ = 	snop  }
0x1f: {  	s16 =	sand.u32 $0x1FE00, s16  }
0x20: {  	s17 =	sand.u32 $0x70, s14;
	s16 =	sshrl.u32 s16, $0x2  }
0x21: {  	s16 =	sor.u32 s17, s16  }
0x22: {  	[tilespmem:s16+$0x2B80] =	vst v0  }
0x23: {  	[tilespmem:$0x7B80] =	vst v0  }
0x24: {  	[tilespmem:$0x7B90] =	vst v0  }
0x25: {  	[tilespmem:$0x7BA0] =	vst v0  }
0x26: {  	[tilespmem:$0x7BB0] =	vst v0  }
0x27: {  	[tilespmem:$0x7BC0] =	vst v0  }
0x28: {  	[tilespmem:$0x7BD0] =	vst v0  }
0x29: {  	[tilespmem:$0x7BE0] =	vst v0  }
0x2a: {  	[tilespmem:$0x7BF0] =	vst v0  }
0x2b: {  	[tilespmem:$0x7C00] =	vst v0  }
0x2c: {  	[tilespmem:$0x7C10] =	vst v0  }
0x2d: {  	[tilespmem:$0x7C20] =	vst v0  }
0x2e: {  	[tilespmem:$0x7C30] =	vst v0  }
0x2f: {  	[tilespmem:$0x7C40] =	vst v0  }
0x30: {  	[tilespmem:$0x7C50] =	vst v0  }
0x31: {  	[tilespmem:$0x7C60] =	vst v0  }
0x32: {  	[tilespmem:$0x7C70] =	vst v0  }
0x33: {  	[tilespmem:$0x7C80] =	vst v0  }
0x34: {  	[tilespmem:$0x7C90] =	vst v0  }
0x35: {  	[tilespmem:$0x7CA0] =	vst v0  }
0x36: {  	[tilespmem:$0x7CB0] =	vst v0  }
0x37: {  	[tilespmem:$0x7CC0] =	vst v0  }
0x38: {  	[tilespmem:$0x7CD0] =	vst v0  }
0x39: {  	[tilespmem:$0x7CE0] =	vst v0  }
0x3a: {  	[tilespmem:$0x7CF0] =	vst v0  }
0x3b: {  	[tilespmem:$0x7D00] =	vst v0  }
0x3c: {  	[tilespmem:$0x7D10] =	vst v0  }
0x3d: {  	[tilespmem:$0x7D20] =	vst v0  }
0x3e: {  	[tilespmem:$0x7D30] =	vst v0  }
0x3f: {  	[tilespmem:$0x7D40] =	vst v0  }
0x40: {  	[tilespmem:$0x7D50] =	vst v0  }
0x41: {  	[tilespmem:$0x7D60] =	vst v0  }
0x42: {  	[tilespmem:$0x7D70] =	vst v0  }
0x43: {  	[tilespmem:$0x7D80] =	vst v0  }
0x44: {  	[tilespmem:$0x7D90] =	vst v0  }
0x45: {  	[tilespmem:$0x7DA0] =	vst v0  }
0x46: {  	[tilespmem:$0x7DB0] =	vst v0  }
0x47: {  	[tilespmem:$0x7DC0] =	vst v0  }
0x48: {  	[tilespmem:$0x7DD0] =	vst v0  }
0x49: {  	[tilespmem:$0x7DE0] =	vst v0  }
0x4a: {  	[tilespmem:$0x7DF0] =	vst v0  }
0x4b: {  	[spmem:s15] =	stream.linear.scatter [tilespmem:s21], [sflag:$0x2], $0x5000, $0x38;
	[tilespmem:$0x1C080] =	vst v63  }
0x4c: {  	_ =	swait.ge [sflag:s22], $0x5000  }
0x4d: {  	[sflag:s22] =	ssyncset.done $0x0  }
0x4e: {  	[sflag:s22] =	ssyncadd.s32 $0xFFFFB000  }
0x4f: {  	[spmem:s18] =	stream.linear.scatter [tilespmem:s21], [sflag:$0x2], $0x5000, $0x38;
	[tilespmem:$0x1C080] =	vst v63  }
0x50: {  	_ =	swait.ge [sflag:s22], $0x5000  }
0x51: {  	[sflag:s22] =	ssyncset.done $0x0  }
0x52: {  	[sflag:s22] =	ssyncadd.s32 $0xFFFFB000  }
0x53: {  	[spmem:s19] =	stream.linear.scatter [tilespmem:s21], [sflag:$0x2], $0x5000, $0x38;
	[tilespmem:$0x1C080] =	vst v63  }
0x54: {  	_ =	swait.ge [sflag:s22], $0x5000  }
0x55: {  	[sflag:s22] =	ssyncset.done $0x0  }
0x56: {  	[sflag:s22] =	ssyncadd.s32 $0xFFFFB000  }
0x57: {  	[spmem:s20] =	stream.linear.scatter [tilespmem:s21], [sflag:$0x2], $0x5000, $0x38;
	[tilespmem:$0x1C080] =	vst v63  }
0x58: {  	_ =	swait.ge [sflag:s22], $0x5000  }
0x59: {  	[sflag:s22] =	ssyncset.done $0x0  }
0x5a: {  	s7 =	simm.s32 $0x7B80;
	[sflag:s22] =	ssyncadd.s32 $0xFFFFB000  }
0x5b: {  	[spmem:s12] =	stream.linear.scatter [tilespmem:s7], [sflag:$0x2], $0x280, $0x38;
	[tilespmem:$0x1C080] =	vst v63  }
0x5c: {  	_ =	swait.ge [sflag:s22], $0x280  }
0x5d: {  	[sflag:s22] =	ssyncset.done $0x0  }
0x5e: {  	[sflag:s22] =	ssyncadd.s32 $0xFFFFFD80  }
0x5f: {  	s14 =	simm.s32 $0x0;
	s7 =	simm.s32 $0x0;
	[bflag:$0x0] =	sbarrier.arrive $0xFFFF  }
.LBB2_4:
0x60: {  	s16 =	smul.u32 $0x50, s14;
	_ =	sdelay $0x1  }
0x61: {  	s16 =	sadd.s32 s13, s16  }
0x62: {  	s16 =	sshrl.u32 s16, $0x3  }
0x63: {  	s17 =	sadd.s32 s0, s16  }
0x64: {  	[tilespmem:s24], [sflag:$0x2] =	stream.linear.gather [hbm4b:s17+s7], $0x50, $0x38;
	[tilespmem:$0x1C080] =	vst v63  }
0x65: {  	_ =	swait.ge [sflag:s22], $0x50  }
0x66: {  	[sflag:s22] =	ssyncset.done $0x0  }
0x67: {  	s17 =	sadd.s32 s2, s16;
	[sflag:s22] =	ssyncadd.s32 $0xFFFFFFB0  }
0x68: {  	[tilespmem:s25], [sflag:$0x2] =	stream.linear.gather [hbm4b:s17+s7], $0x50, $0x38;
	[tilespmem:$0x1C080] =	vst v63  }
0x69: {  	_ =	swait.ge [sflag:s22], $0x50  }
0x6a: {  	[sflag:s22] =	ssyncset.done $0x0  }
0x6b: {  	s16 =	sadd.s32 s3, s16;
	[sflag:s22] =	ssyncadd.s32 $0xFFFFFFB0  }
0x6c: {  	[tilespmem:s26], [sflag:$0x2] =	stream.linear.gather [hbm4b:s16+s7], $0x50, $0x38;
	[tilespmem:$0x1C080] =	vst v63  }
0x6d: {  	_ =	swait.ge [sflag:s22], $0x50  }
0x6e: {  	[sflag:s22] =	ssyncset.done $0x0  }
0x6f: {  	[sflag:s22] =	ssyncadd.s32 $0xFFFFFFB0  }
0x70: {  	[tilespmem:s7], [sflag:$0x1] =	stream.indirect.gather [hbm4b:s9+s28], $0x1, s24, s28, $0xb8;
	[tilespmem:$0x1C080] =	vst v63  }
0x71: {  	_ = 	snop  }
0x72: {  	[tilespmem:s29], [sflag:$0x1] =	stream.indirect.gather [hbm4b:s10+s28], $0x1, s25, s28, $0xb8;
	[tilespmem:$0x1C080] =	vst v63  }
0x73: {  	_ = 	snop  }
0x74: {  	[tilespmem:s30], [sflag:$0x1] =	stream.indirect.gather [hbm4b:s11+s28], $0x1, s26, s28, $0xb8;
	[tilespmem:$0x1C080] =	vst v63  }
0x75: {  	_ = 	snop  }
0x76: {  	[tilespmem:s31], [sflag:$0x1] =	stream.indirect.gather [hbm4b:s8+s28], $0x80, s24, s28, $0xb8;
	[tilespmem:$0x1C080] =	vst v63  }
0x77: {  	_ =	swait.ge [sflag:s1], $0x50  }
0x78: {  	[sflag:s1] =	ssyncset.done $0x0  }
0x79: {  	[sflag:s1] =	ssyncadd.s32 $0xFFFFFFB0  }
0x7a: {  	_ =	swait.ge [sflag:s1], $0x50  }
0x7b: {  	[sflag:s1] =	ssyncset.done $0x0  }
0x7c: {  	[sflag:s1] =	ssyncadd.s32 $0xFFFFFFB0  }
0x7d: {  	_ =	swait.ge [sflag:s1], $0x50  }
0x7e: {  	[sflag:s1] =	ssyncset.done $0x0  }
0x7f: {  	[sflag:s1] =	ssyncadd.s32 $0xFFFFFFB0  }
0x80: {  	v1 =	vld [tilespmem:$0x0]  }
0x81: {  	v2 =	vld [tilespmem:$0x80]  }
0x82: {  	v3 =	vld [tilespmem:$0x100]  }
0x83: {  	v4 =	vld [tilespmem:$0x10]  }
0x84: {  	v5 =	vld [tilespmem:$0x90]  }
0x85: {  	v6 =	vld [tilespmem:$0x110]  }
0x86: {  	v7 =	vld [tilespmem:$0x20]  }
0x87: {  	v8 =	vld [tilespmem:$0xA0]  }
0x88: {  	v9 =	vld [tilespmem:$0x120]  }
0x89: {  	v10 =	vld [tilespmem:$0xB0];
	v1 =	vadd.f32 v2, v1  }
0x8a: {  	v11 =	vld [tilespmem:$0xC0]  }
0x8b: {  	v2 =	vld [tilespmem:$0x30];
	v1 =	vadd.f32 v3, v1  }
0x8c: {  	v3 =	vld [tilespmem:$0x40]  }
0x8d: {  	v59 =	vld [tilespmem:$0x130];
	v4 =	vadd.f32 v5, v4;
	v12 =	vmul.f32 $2.000000030e-01, v1  }
0x8e: {  	v13 =	vld [tilespmem:$0x140];
	v60 =	vadd.f32 v8, v7;
	vm0 =	vge.f32 v1, $0.0e+00  }
0x8f: {  	v4 =	vadd.f32 v6, v4;
	v1 =	vsel vm0, v1, v12  }
0x90: {  	v6 =	vadd.f32 v9, v60;
	v2 =	vadd.f32 v10, v2;
	v1 =	vmul.f32 $1.442695020e+00, v1  }
0x91: {  	v61 =	vmul.f32 $2.000000030e-01, v4;
	v3 =	vadd.f32 v11, v3  }
0x92: {  	v62 =	vmul.f32 $2.000000030e-01, v6;
	(erf) = vpow2.f32 v1;
	v1 =	vadd.f32 v59, v2  }
0x93: {  	vm12 =	vge.f32 v4, $0.0e+00;
	vm13 =	vge.f32 v6, $0.0e+00;
	v3 =	vadd.f32 v13, v3  }
0x94: {  	v2 =	vsel vm12, v4, v61;
	v4 =	vsel vm13, v6, v62;
	v5 =	vmul.f32 $2.000000030e-01, v1  }
0x95: {  	v2 =	vmul.f32 $1.442695020e+00, v2;
	vm14 =	vge.f32 v1, $0.0e+00;
	v63 =	vmul.f32 $2.000000030e-01, v3  }
0x96: {  	v4 =	vmul.f32 $1.442695020e+00, v4;
	vm15 =	vge.f32 v3, $0.0e+00;
	v1 =	vsel vm14, v1, v5  }
0x97: {  	(erf) = vpow2.f32 v2;
	v2 =	vsel vm15, v3, v63;
	v1 =	vmul.f32 $1.442695020e+00, v1  }
0x98: {  	(erf) = vpow2.f32 v4;
	v2 =	vmul.f32 $1.442695020e+00, v2  }
0x99: {  	(erf) = vpow2.f32 v1  }
0x9a: {  	(erf) = vpow2.f32 v2;
	_ =	sdelay $0x4  }
0x9b: {  	v1 =	vpop (erf)  }
0x9c: {  	[tilespmem:$0x300] =	vst v1;
	v2 =	vpop (erf)  }
0x9d: {  	v1 =	vpop (erf);
	[tilespmem:$0x310] =	vst v2  }
0x9e: {  	[tilespmem:$0x320] =	vst v1;
	v2 =	vpop (erf)  }
0x9f: {  	[tilespmem:$0x330] =	vst v2;
	v1 =	vpop (erf)  }
0xa0: {  	[tilespmem:$0x340] =	vst v1  }
0xa1: {  	_ =	swait.ge [sflag:s1], $0x2800  }
0xa2: {  	[sflag:s1] =	ssyncset.done $0x0  }
0xa3: {  	s16 =	simm.s32 $0x0;
	[sflag:s1] =	ssyncadd.s32 $0xFFFFD800  }
.LBB2_5:
0xa4: {  	s17 =	sshll.u32 s16, $0x4  }
0xa5: {  	s17 =	sand.u32 $0x3FFFFFF0, s17  }
0xa6: {  	v1 =	vld [tilespmem:s17+$0x300];
	s17 =	sshll.u32 s16, $0xB  }
0xa7: {  	s17 =	sand.u32 $0x3FFFF800, s17  }
0xa8: {  	v2 =	vld [tilespmem:s17+$0x380]  }
0xa9: {  	v3 =	vld [tilespmem:s17+$0x390]  }
0xaa: {  	v4 =	vld [tilespmem:s17+$0x3A0]  }
0xab: {  	v6 =	vld [tilespmem:s17+$0x3B0];
	v5 =	vbroadcast v1, $0x0  }
0xac: {  	v7 =	vld [tilespmem:s17+$0x3C0]  }
0xad: {  	v8 =	vld [tilespmem:s17+$0x3D0];
	v2 =	vmul.f32 v2, v5  }
0xae: {  	v9 =	vld [tilespmem:s17+$0x3E0];
	v3 =	vmul.f32 v3, v5  }
0xaf: {  	v34 =	vld [tilespmem:s17+$0x3F0];
	[tilespmem:s17+$0x380] =	vst v2;
	v2 =	vmul.f32 v4, v5  }
0xb0: {  	v35 =	vld [tilespmem:s17+$0x400];
	[tilespmem:s17+$0x390] =	vst v3;
	v3 =	vmul.f32 v6, v5  }
0xb1: {  	v36 =	vld [tilespmem:s17+$0x410];
	[tilespmem:s17+$0x3A0] =	vst v2;
	v2 =	vmul.f32 v7, v5  }
0xb2: {  	v37 =	vld [tilespmem:s17+$0x420];
	[tilespmem:s17+$0x3B0] =	vst v3;
	v3 =	vmul.f32 v8, v5  }
0xb3: {  	v10 =	vld [tilespmem:s17+$0x430];
	v38 =	vbroadcast v1, $0x1;
	[tilespmem:s17+$0x3C0] =	vst v2;
	v2 =	vmul.f32 v9, v5  }
0xb4: {  	v39 =	vld [tilespmem:s17+$0x440];
	[tilespmem:s17+$0x3D0] =	vst v3;
	v3 =	vmul.f32 v34, v5  }
0xb5: {  	v40 =	vld [tilespmem:s17+$0x450];
	[tilespmem:s17+$0x3E0] =	vst v2;
	v2 =	vmul.f32 v35, v38  }
0xb6: {  	v41 =	vld [tilespmem:s17+$0x460];
	[tilespmem:s17+$0x3F0] =	vst v3;
	v3 =	vmul.f32 v36, v38  }
0xb7: {  	v42 =	vld [tilespmem:s17+$0x470];
	[tilespmem:s17+$0x400] =	vst v2;
	v2 =	vmul.f32 v37, v38  }
0xb8: {  	v43 =	vld [tilespmem:s17+$0x480];
	[tilespmem:s17+$0x410] =	vst v3;
	v3 =	vmul.f32 v10, v38  }
0xb9: {  	v44 =	vld [tilespmem:s17+$0x490];
	[tilespmem:s17+$0x420] =	vst v2;
	v2 =	vmul.f32 v39, v38  }
0xba: {  	v45 =	vld [tilespmem:s17+$0x4A0];
	[tilespmem:s17+$0x430] =	vst v3;
	v3 =	vmul.f32 v40, v38  }
0xbb: {  	v47 =	vld [tilespmem:s17+$0x4B0];
	v46 =	vbroadcast v1, $0x2;
	[tilespmem:s17+$0x440] =	vst v2;
	v2 =	vmul.f32 v41, v38  }
0xbc: {  	v48 =	vld [tilespmem:s17+$0x4C0];
	[tilespmem:s17+$0x450] =	vst v3;
	v3 =	vmul.f32 v42, v38  }
0xbd: {  	v49 =	vld [tilespmem:s17+$0x4D0];
	[tilespmem:s17+$0x460] =	vst v2;
	v2 =	vmul.f32 v43, v46  }
0xbe: {  	v50 =	vld [tilespmem:s17+$0x4E0];
	[tilespmem:s17+$0x470] =	vst v3;
	v3 =	vmul.f32 v44, v46  }
0xbf: {  	v51 =	vld [tilespmem:s17+$0x4F0];
	[tilespmem:s17+$0x480] =	vst v2;
	v2 =	vmul.f32 v45, v46  }
0xc0: {  	v52 =	vld [tilespmem:s17+$0x500];
	[tilespmem:s17+$0x490] =	vst v3;
	v3 =	vmul.f32 v47, v46  }
0xc1: {  	v53 =	vld [tilespmem:s17+$0x510];
	[tilespmem:s17+$0x4A0] =	vst v2;
	v2 =	vmul.f32 v48, v46  }
0xc2: {  	v54 =	vld [tilespmem:s17+$0x520];
	[tilespmem:s17+$0x4B0] =	vst v3;
	v3 =	vmul.f32 v49, v46  }
0xc3: {  	v56 =	vld [tilespmem:s17+$0x530];
	v55 =	vbroadcast v1, $0x3;
	[tilespmem:s17+$0x4C0] =	vst v2;
	v2 =	vmul.f32 v50, v46  }
0xc4: {  	v57 =	vld [tilespmem:s17+$0x540];
	[tilespmem:s17+$0x4D0] =	vst v3;
	v3 =	vmul.f32 v51, v46  }
0xc5: {  	v58 =	vld [tilespmem:s17+$0x550];
	[tilespmem:s17+$0x4E0] =	vst v2;
	v2 =	vmul.f32 v52, v55  }
0xc6: {  	v59 =	vld [tilespmem:s17+$0x560];
	[tilespmem:s17+$0x4F0] =	vst v3;
	v3 =	vmul.f32 v53, v55  }
0xc7: {  	v60 =	vld [tilespmem:s17+$0x570];
	[tilespmem:s17+$0x500] =	vst v2;
	v2 =	vmul.f32 v54, v55  }
0xc8: {  	v61 =	vld [tilespmem:s17+$0x580];
	[tilespmem:s17+$0x510] =	vst v3;
	v3 =	vmul.f32 v56, v55  }
0xc9: {  	v62 =	vld [tilespmem:s17+$0x590];
	[tilespmem:s17+$0x520] =	vst v2;
	v2 =	vmul.f32 v57, v55  }
0xca: {  	v63 =	vld [tilespmem:s17+$0x5A0];
	[tilespmem:s17+$0x530] =	vst v3;
	v3 =	vmul.f32 v58, v55  }
0xcb: {  	v13 =	vld [tilespmem:s17+$0x5B0];
	v12 =	vbroadcast v1, $0x4;
	[tilespmem:s17+$0x540] =	vst v2;
	v2 =	vmul.f32 v59, v55  }
0xcc: {  	v14 =	vld [tilespmem:s17+$0x5C0];
	[tilespmem:s17+$0x550] =	vst v3;
	v3 =	vmul.f32 v60, v55  }
0xcd: {  	v15 =	vld [tilespmem:s17+$0x5D0];
	[tilespmem:s17+$0x560] =	vst v2;
	v2 =	vmul.f32 v61, v12  }
0xce: {  	v16 =	vld [tilespmem:s17+$0x5E0];
	[tilespmem:s17+$0x570] =	vst v3;
	v3 =	vmul.f32 v62, v12  }
0xcf: {  	v17 =	vld [tilespmem:s17+$0x5F0];
	[tilespmem:s17+$0x580] =	vst v2;
	v2 =	vmul.f32 v63, v12  }
0xd0: {  	v18 =	vld [tilespmem:s17+$0x600];
	[tilespmem:s17+$0x590] =	vst v3;
	v3 =	vmul.f32 v13, v12  }
0xd1: {  	v19 =	vld [tilespmem:s17+$0x610];
	[tilespmem:s17+$0x5A0] =	vst v2;
	v2 =	vmul.f32 v14, v12  }
0xd2: {  	v20 =	vld [tilespmem:s17+$0x620];
	[tilespmem:s17+$0x5B0] =	vst v3;
	v3 =	vmul.f32 v15, v12  }
0xd3: {  	v22 =	vld [tilespmem:s17+$0x630];
	v21 =	vbroadcast v1, $0x5;
	[tilespmem:s17+$0x5C0] =	vst v2;
	v2 =	vmul.f32 v16, v12  }
0xd4: {  	v23 =	vld [tilespmem:s17+$0x640];
	[tilespmem:s17+$0x5D0] =	vst v3;
	v3 =	vmul.f32 v17, v12  }
0xd5: {  	v24 =	vld [tilespmem:s17+$0x650];
	[tilespmem:s17+$0x5E0] =	vst v2;
	v2 =	vmul.f32 v18, v21  }
0xd6: {  	v25 =	vld [tilespmem:s17+$0x660];
	[tilespmem:s17+$0x5F0] =	vst v3;
	v3 =	vmul.f32 v19, v21  }
0xd7: {  	v26 =	vld [tilespmem:s17+$0x670];
	[tilespmem:s17+$0x600] =	vst v2;
	v2 =	vmul.f32 v20, v21  }
0xd8: {  	v27 =	vld [tilespmem:s17+$0x680];
	[tilespmem:s17+$0x610] =	vst v3;
	v3 =	vmul.f32 v22, v21  }
0xd9: {  	v28 =	vld [tilespmem:s17+$0x690];
	[tilespmem:s17+$0x620] =	vst v2;
	v2 =	vmul.f32 v23, v21  }
0xda: {  	v29 =	vld [tilespmem:s17+$0x6A0];
	[tilespmem:s17+$0x630] =	vst v3;
	v3 =	vmul.f32 v24, v21  }
0xdb: {  	v31 =	vld [tilespmem:s17+$0x6B0];
	v30 =	vbroadcast v1, $0x6;
	[tilespmem:s17+$0x640] =	vst v2;
	v2 =	vmul.f32 v25, v21  }
0xdc: {  	v32 =	vld [tilespmem:s17+$0x6C0];
	[tilespmem:s17+$0x650] =	vst v3;
	v3 =	vmul.f32 v26, v21  }
0xdd: {  	v33 =	vld [tilespmem:s17+$0x6D0];
	[tilespmem:s17+$0x660] =	vst v2;
	v2 =	vmul.f32 v27, v30  }
0xde: {  	v34 =	vld [tilespmem:s17+$0x6E0];
	[tilespmem:s17+$0x670] =	vst v3;
	v3 =	vmul.f32 v28, v30  }
0xdf: {  	v35 =	vld [tilespmem:s17+$0x6F0];
	[tilespmem:s17+$0x680] =	vst v2;
	v2 =	vmul.f32 v29, v30  }
0xe0: {  	v36 =	vld [tilespmem:s17+$0x700];
	[tilespmem:s17+$0x690] =	vst v3;
	v3 =	vmul.f32 v31, v30  }
0xe1: {  	v37 =	vld [tilespmem:s17+$0x710];
	[tilespmem:s17+$0x6A0] =	vst v2;
	v2 =	vmul.f32 v32, v30  }
0xe2: {  	v38 =	vld [tilespmem:s17+$0x720];
	[tilespmem:s17+$0x6B0] =	vst v3;
	v3 =	vmul.f32 v33, v30  }
0xe3: {  	v39 =	vbroadcast v1, $0x7;
	v40 =	vld [tilespmem:s17+$0x730];
	[tilespmem:s17+$0x6C0] =	vst v2;
	v2 =	vmul.f32 v34, v30  }
0xe4: {  	v41 =	vld [tilespmem:s17+$0x740];
	[tilespmem:s17+$0x6D0] =	vst v3;
	v3 =	vmul.f32 v35, v30  }
0xe5: {  	v42 =	vld [tilespmem:s17+$0x750];
	[tilespmem:s17+$0x6E0] =	vst v2;
	v2 =	vmul.f32 v36, v39  }
0xe6: {  	v43 =	vld [tilespmem:s17+$0x760];
	[tilespmem:s17+$0x6F0] =	vst v3;
	v3 =	vmul.f32 v37, v39  }
0xe7: {  	v44 =	vld [tilespmem:s17+$0x770];
	[tilespmem:s17+$0x700] =	vst v2;
	v2 =	vmul.f32 v38, v39  }
0xe8: {  	v45 =	vld [tilespmem:s17+$0x780];
	[tilespmem:s17+$0x710] =	vst v3;
	v3 =	vmul.f32 v40, v39  }
0xe9: {  	v46 =	vld [tilespmem:s17+$0x790];
	[tilespmem:s17+$0x720] =	vst v2;
	v2 =	vmul.f32 v41, v39  }
0xea: {  	v47 =	vld [tilespmem:s17+$0x7A0];
	[tilespmem:s17+$0x730] =	vst v3;
	v3 =	vmul.f32 v42, v39  }
0xeb: {  	v48 =	vbroadcast v1, $0x8;
	v49 =	vld [tilespmem:s17+$0x7B0];
	[tilespmem:s17+$0x740] =	vst v2;
	v2 =	vmul.f32 v43, v39  }
0xec: {  	v50 =	vld [tilespmem:s17+$0x7C0];
	[tilespmem:s17+$0x750] =	vst v3;
	v3 =	vmul.f32 v44, v39  }
0xed: {  	v51 =	vld [tilespmem:s17+$0x7D0];
	[tilespmem:s17+$0x760] =	vst v2;
	v2 =	vmul.f32 v45, v48  }
0xee: {  	v52 =	vld [tilespmem:s17+$0x7E0];
	[tilespmem:s17+$0x770] =	vst v3;
	v3 =	vmul.f32 v46, v48  }
0xef: {  	v53 =	vld [tilespmem:s17+$0x7F0];
	[tilespmem:s17+$0x780] =	vst v2;
	v2 =	vmul.f32 v47, v48  }
0xf0: {  	v54 =	vld [tilespmem:s17+$0x800];
	[tilespmem:s17+$0x790] =	vst v3;
	v3 =	vmul.f32 v49, v48  }
0xf1: {  	v55 =	vld [tilespmem:s17+$0x810];
	[tilespmem:s17+$0x7A0] =	vst v2;
	v2 =	vmul.f32 v50, v48  }
0xf2: {  	v56 =	vld [tilespmem:s17+$0x820];
	[tilespmem:s17+$0x7B0] =	vst v3;
	v3 =	vmul.f32 v51, v48  }
0xf3: {  	v57 =	vbroadcast v1, $0x9;
	v58 =	vld [tilespmem:s17+$0x830];
	[tilespmem:s17+$0x7C0] =	vst v2;
	v2 =	vmul.f32 v52, v48  }
0xf4: {  	v59 =	vld [tilespmem:s17+$0x840];
	[tilespmem:s17+$0x7D0] =	vst v3;
	v3 =	vmul.f32 v53, v48  }
0xf5: {  	v60 =	vld [tilespmem:s17+$0x850];
	[tilespmem:s17+$0x7E0] =	vst v2;
	v2 =	vmul.f32 v54, v57  }
0xf6: {  	v61 =	vld [tilespmem:s17+$0x860];
	[tilespmem:s17+$0x7F0] =	vst v3;
	v3 =	vmul.f32 v55, v57  }
0xf7: {  	v62 =	vld [tilespmem:s17+$0x870];
	[tilespmem:s17+$0x800] =	vst v2;
	v2 =	vmul.f32 v56, v57  }
0xf8: {  	v63 =	vld [tilespmem:s17+$0x880];
	[tilespmem:s17+$0x810] =	vst v3;
	v3 =	vmul.f32 v58, v57  }
0xf9: {  	v12 =	vld [tilespmem:s17+$0x890];
	[tilespmem:s17+$0x820] =	vst v2;
	v2 =	vmul.f32 v59, v57  }
0xfa: {  	v13 =	vld [tilespmem:s17+$0x8A0];
	[tilespmem:s17+$0x830] =	vst v3;
	v3 =	vmul.f32 v60, v57  }
0xfb: {  	v14 =	vbroadcast v1, $0xA;
	v15 =	vld [tilespmem:s17+$0x8B0];
	[tilespmem:s17+$0x840] =	vst v2;
	v2 =	vmul.f32 v61, v57  }
0xfc: {  	v16 =	vld [tilespmem:s17+$0x8C0];
	[tilespmem:s17+$0x850] =	vst v3;
	v3 =	vmul.f32 v62, v57  }
0xfd: {  	v17 =	vld [tilespmem:s17+$0x8D0];
	[tilespmem:s17+$0x860] =	vst v2;
	v2 =	vmul.f32 v63, v14  }
0xfe: {  	v18 =	vld [tilespmem:s17+$0x8E0];
	[tilespmem:s17+$0x870] =	vst v3;
	v3 =	vmul.f32 v12, v14  }
0xff: {  	v19 =	vld [tilespmem:s17+$0x8F0];
	[tilespmem:s17+$0x880] =	vst v2;
	v2 =	vmul.f32 v13, v14  }
0x100: {  	v20 =	vld [tilespmem:s17+$0x900];
	[tilespmem:s17+$0x890] =	vst v3;
	v3 =	vmul.f32 v15, v14  }
0x101: {  	v21 =	vld [tilespmem:s17+$0x910];
	[tilespmem:s17+$0x8A0] =	vst v2;
	v2 =	vmul.f32 v16, v14  }
0x102: {  	v22 =	vld [tilespmem:s17+$0x920];
	[tilespmem:s17+$0x8B0] =	vst v3;
	v3 =	vmul.f32 v17, v14  }
0x103: {  	v23 =	vbroadcast v1, $0xB;
	v24 =	vld [tilespmem:s17+$0x930];
	[tilespmem:s17+$0x8C0] =	vst v2;
	v2 =	vmul.f32 v18, v14  }
0x104: {  	v25 =	vld [tilespmem:s17+$0x940];
	[tilespmem:s17+$0x8D0] =	vst v3;
	v3 =	vmul.f32 v19, v14  }
0x105: {  	v26 =	vld [tilespmem:s17+$0x950];
	[tilespmem:s17+$0x8E0] =	vst v2;
	v2 =	vmul.f32 v20, v23  }
0x106: {  	v27 =	vld [tilespmem:s17+$0x960];
	[tilespmem:s17+$0x8F0] =	vst v3;
	v3 =	vmul.f32 v21, v23  }
0x107: {  	v28 =	vld [tilespmem:s17+$0x970];
	[tilespmem:s17+$0x900] =	vst v2;
	v2 =	vmul.f32 v22, v23  }
0x108: {  	v29 =	vld [tilespmem:s17+$0x980];
	[tilespmem:s17+$0x910] =	vst v3;
	v3 =	vmul.f32 v24, v23  }
0x109: {  	v30 =	vld [tilespmem:s17+$0x990];
	[tilespmem:s17+$0x920] =	vst v2;
	v2 =	vmul.f32 v25, v23  }
0x10a: {  	v31 =	vld [tilespmem:s17+$0x9A0];
	[tilespmem:s17+$0x930] =	vst v3;
	v3 =	vmul.f32 v26, v23  }
0x10b: {  	v32 =	vbroadcast v1, $0xC;
	v33 =	vld [tilespmem:s17+$0x9B0];
	[tilespmem:s17+$0x940] =	vst v2;
	v2 =	vmul.f32 v27, v23  }
0x10c: {  	v34 =	vld [tilespmem:s17+$0x9C0];
	[tilespmem:s17+$0x950] =	vst v3;
	v3 =	vmul.f32 v28, v23  }
0x10d: {  	v35 =	vld [tilespmem:s17+$0x9D0];
	[tilespmem:s17+$0x960] =	vst v2;
	v2 =	vmul.f32 v29, v32  }
0x10e: {  	v36 =	vld [tilespmem:s17+$0x9E0];
	[tilespmem:s17+$0x970] =	vst v3;
	v3 =	vmul.f32 v30, v32  }
0x10f: {  	v37 =	vld [tilespmem:s17+$0x9F0];
	[tilespmem:s17+$0x980] =	vst v2;
	v2 =	vmul.f32 v31, v32  }
0x110: {  	v38 =	vld [tilespmem:s17+$0xA00];
	[tilespmem:s17+$0x990] =	vst v3;
	v3 =	vmul.f32 v33, v32  }
0x111: {  	v39 =	vld [tilespmem:s17+$0xA10];
	[tilespmem:s17+$0x9A0] =	vst v2;
	v2 =	vmul.f32 v34, v32  }
0x112: {  	v40 =	vld [tilespmem:s17+$0xA20];
	[tilespmem:s17+$0x9B0] =	vst v3;
	v3 =	vmul.f32 v35, v32  }
0x113: {  	v41 =	vbroadcast v1, $0xD;
	v42 =	vld [tilespmem:s17+$0xA30];
	[tilespmem:s17+$0x9C0] =	vst v2;
	v2 =	vmul.f32 v36, v32  }
0x114: {  	v43 =	vld [tilespmem:s17+$0xA40];
	[tilespmem:s17+$0x9D0] =	vst v3;
	v3 =	vmul.f32 v37, v32  }
0x115: {  	v44 =	vld [tilespmem:s17+$0xA50];
	[tilespmem:s17+$0x9E0] =	vst v2;
	v2 =	vmul.f32 v38, v41  }
0x116: {  	v45 =	vld [tilespmem:s17+$0xA60];
	[tilespmem:s17+$0x9F0] =	vst v3;
	v3 =	vmul.f32 v39, v41  }
0x117: {  	v46 =	vld [tilespmem:s17+$0xA70];
	[tilespmem:s17+$0xA00] =	vst v2;
	v2 =	vmul.f32 v40, v41  }
0x118: {  	v47 =	vld [tilespmem:s17+$0xA80];
	[tilespmem:s17+$0xA10] =	vst v3;
	v3 =	vmul.f32 v42, v41  }
0x119: {  	v48 =	vld [tilespmem:s17+$0xA90];
	[tilespmem:s17+$0xA20] =	vst v2;
	v2 =	vmul.f32 v43, v41  }
0x11a: {  	v49 =	vld [tilespmem:s17+$0xAA0];
	[tilespmem:s17+$0xA30] =	vst v3;
	v3 =	vmul.f32 v44, v41  }
0x11b: {  	v50 =	vbroadcast v1, $0xE;
	v51 =	vld [tilespmem:s17+$0xAB0];
	[tilespmem:s17+$0xA40] =	vst v2;
	v2 =	vmul.f32 v45, v41  }
0x11c: {  	v52 =	vld [tilespmem:s17+$0xAC0];
	[tilespmem:s17+$0xA50] =	vst v3;
	v3 =	vmul.f32 v46, v41  }
0x11d: {  	v53 =	vld [tilespmem:s17+$0xAD0];
	[tilespmem:s17+$0xA60] =	vst v2;
	v2 =	vmul.f32 v47, v50  }
0x11e: {  	v54 =	vld [tilespmem:s17+$0xAE0];
	[tilespmem:s17+$0xA70] =	vst v3;
	v3 =	vmul.f32 v48, v50  }
0x11f: {  	v55 =	vld [tilespmem:s17+$0xAF0];
	[tilespmem:s17+$0xA80] =	vst v2;
	v2 =	vmul.f32 v49, v50  }
0x120: {  	v56 =	vld [tilespmem:s17+$0xB00];
	[tilespmem:s17+$0xA90] =	vst v3;
	v3 =	vmul.f32 v51, v50  }
0x121: {  	v57 =	vld [tilespmem:s17+$0xB10];
	[tilespmem:s17+$0xAA0] =	vst v2;
	v2 =	vmul.f32 v52, v50  }
0x122: {  	v58 =	vld [tilespmem:s17+$0xB20];
	[tilespmem:s17+$0xAB0] =	vst v3;
	v3 =	vmul.f32 v53, v50  }
0x123: {  	v1 =	vbroadcast v1, $0xF;
	v59 =	vld [tilespmem:s17+$0xB30];
	[tilespmem:s17+$0xAC0] =	vst v2;
	v2 =	vmul.f32 v54, v50  }
0x124: {  	v60 =	vld [tilespmem:s17+$0xB40];
	[tilespmem:s17+$0xAD0] =	vst v3;
	v3 =	vmul.f32 v55, v50  }
0x125: {  	v61 =	vld [tilespmem:s17+$0xB50];
	[tilespmem:s17+$0xAE0] =	vst v2;
	v2 =	vmul.f32 v56, v1  }
0x126: {  	v62 =	vld [tilespmem:s17+$0xB60];
	[tilespmem:s17+$0xAF0] =	vst v3;
	v3 =	vmul.f32 v57, v1  }
0x127: {  	v63 =	vld [tilespmem:s17+$0xB70];
	[tilespmem:s17+$0xB00] =	vst v2;
	v2 =	vmul.f32 v58, v1  }
0x128: {  	[tilespmem:s17+$0xB10] =	vst v3;
	v3 =	vmul.f32 v59, v1  }
0x129: {  	p0 =	sne.s32 s16, $0x4;
	[tilespmem:s17+$0xB20] =	vst v2;
	v2 =	vmul.f32 v60, v1  }
.Ltmp1:
0x12a: {  	[tilespmem:s17+$0xB30] =	vst v3;
	v3 =	vmul.f32 v61, v1;
	(pc) =	sbr.rel @p0 .LBB2_5-.Ltmp1, $4  }
0x12b: {  	[tilespmem:s17+$0xB40] =	vst v2;
	v2 =	vmul.f32 v62, v1  }
0x12c: {  	[tilespmem:s17+$0xB50] =	vst v3;
	v1 =	vmul.f32 v63, v1  }
0x12d: {  	[tilespmem:s17+$0xB60] =	vst v2  }
0x12e: {  	s16 =	sadd.s32 $0x1, s16;
	[tilespmem:s17+$0xB70] =	vst v1  }
0x12f: {  	[spmem:s4] =	stream.indirect.scatter.add.f32 [tilespmem:s31], [sflag:$0x2], $0x80, s25, s28, $0xb8;
	[tilespmem:$0x1C080] =	vst v63  }
0x130: {  	s14 =	sadd.s32 $0x1, s14;
	_ =	swait.ge [sflag:s22], $0x2800  }
0x131: {  	p0 =	sne.s32 s14, $0x7D;
	[sflag:s22] =	ssyncset.done $0x0  }
.Ltmp2:
0x132: {  	[sflag:s22] =	ssyncadd.s32 $0xFFFFD800;
	(pc) =	sbr.rel @p0 .LBB2_4-.Ltmp2, $4  }
0x133: {  	[spmem:s5] =	stream.indirect.scatter.add.f32 [tilespmem:s23], [sflag:$0x2], $0x1, s25, s28, $0xb8;
	[tilespmem:$0x1C080] =	vst v63  }
0x134: {  	_ =	swait.ge [sflag:s22], $0x50  }
0x135: {  	[sflag:s22] =	ssyncset.done $0x0  }
0x136: {  	[sflag:s22] =	ssyncadd.s32 $0xFFFFFFB0  }
0x137: {  	s7 =	stileid.u32  }
0x138: {  	[bflag:$0x0] =	sbarrier.arrive $0xFFFF;
	s7 =	sshll.u32 s7, $0x6  }
0x139: {  	s14 =	sshrl.u32 s15, $0x3;
	s16 =	rddreg [dreg:$0x7];
	s7 =	sor.u32 $0x1C02, s7  }
0x13a: {  	[hbm:s16], [sflag:s7] =	dma.local [spmem:s14], $0x2800  }
0x13b: {  	_ =	swait.ge [sflag:s22], $0x2800  }
0x13c: {  	[sflag:s22] =	ssyncset.done $0x0  }
0x13d: {  	s16 =	sshrl.u32 s12, $0x3;
	s17 =	rddreg [dreg:$0x8];
	[sflag:s22] =	ssyncadd.s32 $0xFFFFD800  }
0x13e: {  	[hbm:s17], [sflag:s7] =	dma.local [spmem:s16], $0x50  }
0x13f: {  	_ =	swait.ge [sflag:s22], $0x50  }
0x140: {  	s6 =	sadd.s32 $0x1, s6;
	s17 =	rddreg [dreg:$0x9]  }
0x141: {  	p0 =	sne.s32 s6, s17  }
.Ltmp3:
0x142: {  	_ = 	snop;
	(pc) =	sbr.rel @p0 .LBB2_1-.Ltmp3, $3  }
0x143: {  	_ =	sdelay $0x1  }
0x144: {  	[sflag:s22] =	ssyncset.done $0x0  }
0x145: {  	[sflag:s22] =	ssyncadd.s32 $0xFFFFFFB0  }
0x146: {  	_ =	sfence.sel $0x180000  }
0x147: {  	[bflag:$0x0] =	sbarrier.arrive $0xFFFF  }
0x148: {  	_ =	strace $0x90000047  }
0x149: {  	s0 =	stileid.u32;
	[bflag:$0x2] =	sbarrier.arrive $0xFFFF  }
0x14a: {  	p0 =	sne.s32 s0, $0x0;
	s0 =	rddreg [dreg:$0x6]  }
0x14b: {  	s0 =	sadd.s32 @!p0 $0x100000, s0  }
0x14c: {  	[sflag:s0] =	ssyncadd.tile.s32 @!p0 $0x1;
	_ =	shalt  }
.Lfunc_end2:
_tile_overlayer_lowered:
.L_overlay_start_2:
0x14d: {  	(tag) =	ssettag $0x2  }
0x14e: {  	s0 =	rddreg [dreg:$0x0];
	s2 =	stileid.u32  }
0x14f: {  	s1 =	rddreg [dreg:$0x1];
	p0 =	sne.s32 s2, $0x0  }
0x150: {  	s3 =	rddreg [dreg:$0x2];
	[bflag:$0x3] =	sbarrier.arrive $0xFFFF;
	s2 =	simm.s32 @!p0 $0x1C02  }
0x151: {  	[timem:s3], [sflag:s2] =	dma.local @!p0 [hbm:s0], s1  }
0x152: {  	s0 =	simm.s32 @!p0 $0x2  }
0x153: {  	_ =	swait.ge @!p0 [sflag:s0], s1  }
0x154: {  	s1 =	ssub.s32 @!p0 $0x0, s1;
	[sflag:s0] =	ssyncset.done @!p0 $0x0  }
0x155: {  	[sflag:s0] =	ssyncadd.s32 @!p0 s1  }
0x156: {  	[bflag:$0x3] =	sbarrier.arrive $0xFFFF  }
0x157: {  	_ =	shalt  }

</sc_bundles>
